<compile_context>
chip_gen: v7x
topology: tpu7x:2x2x1
jax: 0.10.2.dev20260603
libtpu: 0.0.44.dev20260713+nightly
codegen_flags: <defaults>
</compile_context>

<pallas_src>
import functools

import jax
import jax.numpy as jnp
from jax import lax
from jax.experimental import pallas as pl
from jax.experimental.pallas import tpu as pltpu
from jax.experimental.pallas import tpu_sc as plsc

_LAMBDA = 10.0
_NC = 2
_NS = 16
_NW = _NC * _NS
_L = 16


def _make_sc_gather(B, V, S, R):
    assert B % (_NW * 2 * R) == 0 and R % _L == 0 and S >= _L
    RPW = B // _NW
    NCHUNK = RPW // R
    OFFS = [k * _L for k in range(S // _L)] + ([S - _L] if S % _L else [])
    NJ = len(OFFS)

    mesh = plsc.VectorSubcoreMesh(core_axis_name="c", subcore_axis_name="s")

    @functools.partial(
        pl.kernel,
        mesh=mesh,
        out_type=[jax.ShapeDtypeStruct((B,), jnp.float32)] * 4,
        compiler_params=pltpu.CompilerParams(
            needs_layout_passes=False, use_tc_tiling_on_sc=True
        ),
        scratch_types=[
            pltpu.VMEM((2 * R, V), jnp.float32),
            pltpu.VMEM((2 * R, S), jnp.int32),
            pltpu.VMEM((V + 8,), jnp.int32),
            pltpu.VMEM((RPW,), jnp.float32),
            pltpu.VMEM((RPW,), jnp.float32),
            pltpu.VMEM((RPW,), jnp.float32),
            pltpu.VMEM((RPW,), jnp.float32),
            pltpu.SemaphoreType.DMA,
            pltpu.SemaphoreType.DMA,
        ],
    )
    def sc_gather(pred_hbm, tgt_hbm, sg_hbm, spe_hbm, sne_hbm, np_hbm,
                  pred_v, tgt_v, mark_v, sg_v, spe_v, sne_v, np_v,
                  sem_a, sem_b):
        wid = lax.axis_index("s") * _NC + lax.axis_index("c")
        row0 = wid * RPW
        lanes = lax.iota(jnp.int32, _L)

        def start_chunk(g, boff, sem):
            base = row0 + g * R
            pltpu.async_copy(pred_hbm.at[pl.ds(base, R), :],
                             pred_v.at[pl.ds(boff, R), :], sem)
            pltpu.async_copy(tgt_hbm.at[pl.ds(base, R), :],
                             tgt_v.at[pl.ds(boff, R), :], sem)

        def wait_chunk(boff, sem):
            pltpu.make_async_copy(pred_hbm.at[pl.ds(0, R), :],
                                  pred_v.at[pl.ds(boff, R), :], sem).wait()
            pltpu.make_async_copy(tgt_hbm.at[pl.ds(0, R), :],
                                  tgt_v.at[pl.ds(boff, R), :], sem).wait()

        neg1 = jnp.full((_L,), -1, jnp.int32)

        start_chunk(0, 0, sem_a)
        start_chunk(1, R, sem_b)

        def init_body(k, _):
            mark_v[pl.ds(k * _L, _L)] = neg1
            return 0

        lax.fori_loop(0, (V + 8) // _L, init_body, 0)

        def process(g, boff, sem, packs):
            wait_chunk(boff, sem)

            def row_body(r, pk):
                psg, pspe, psne, pnp = pk
                zero = jnp.zeros((_L,), jnp.float32)

                mbase = (g * R + r) * (NJ * _L)
                for j in range(NJ):
                    t = tgt_v[boff + r, pl.ds(OFFS[j], _L)]
                    plsc.store_scatter(mark_v, [t], mbase + j * _L + lanes)
                npos_i = jnp.zeros((_L,), jnp.int32)
                sg_acc = zero
                spe_acc = zero
                sne_acc = zero
                rfull = jnp.full((_L,), boff + r, jnp.int32)
                for j in range(NJ):
                    t = tgt_v[boff + r, pl.ds(OFFS[j], _L)]
                    rb = plsc.load_gather(mark_v, [t])
                    kb = rb == mbase + j * _L + lanes
                    keep = jnp.where(kb, 1.0, 0.0)
                    g_j = plsc.load_gather(pred_v, [rfull, t])
                    npos_i = npos_i + plsc.all_reduce_population_count(kb)
                    sg_acc = sg_acc + keep * g_j
                    spe_acc = spe_acc + keep * jnp.exp(-g_j)
                    sne_acc = sne_acc + keep * jnp.exp(g_j)

                bv = lambda x: jnp.full((_L,), x, jnp.float32)
                lm = lanes == r % _L
                psg = jnp.where(lm, bv(jnp.sum(sg_acc)), psg)
                pspe = jnp.where(lm, bv(jnp.sum(spe_acc)), pspe)
                psne = jnp.where(lm, bv(jnp.sum(sne_acc)), psne)
                pnp = jnp.where(lm, npos_i.astype(jnp.float32), pnp)

                @pl.when(r % _L == _L - 1)
                def _():
                    off = g * R + r - (_L - 1)
                    sg_v[pl.ds(off, _L)] = psg
                    spe_v[pl.ds(off, _L)] = pspe
                    sne_v[pl.ds(off, _L)] = psne
                    np_v[pl.ds(off, _L)] = pnp

                return (psg, pspe, psne, pnp)

            packs = lax.fori_loop(0, R, row_body, packs, unroll=2)

            @pl.when(g + 2 < NCHUNK)
            def _():
                start_chunk(g + 2, boff, sem)

            return packs

        def pair_body(i, packs):
            g = i * 2
            packs = process(g, 0, sem_a, packs)
            packs = process(g + 1, R, sem_b, packs)
            return packs

        zv = jnp.zeros((_L,), jnp.float32)
        lax.fori_loop(0, NCHUNK // 2, pair_body, (zv, zv, zv, zv))

        pltpu.sync_copy(sg_v, sg_hbm.at[pl.ds(row0, RPW)])
        pltpu.sync_copy(spe_v, spe_hbm.at[pl.ds(row0, RPW)])
        pltpu.sync_copy(sne_v, sne_hbm.at[pl.ds(row0, RPW)])
        pltpu.sync_copy(np_v, np_hbm.at[pl.ds(row0, RPW)])

    return sc_gather


def _tc_dense(pred, blk):
    B, V = pred.shape

    def kern(p_ref, s2_ref, se_ref):
        p = p_ref[...]
        s2_ref[...] = jnp.sum(p * p, axis=1)
        se_ref[...] = jnp.sum(jnp.exp(p), axis=1)

    return pl.pallas_call(
        kern,
        grid=(B // blk,),
        in_specs=[pl.BlockSpec((blk, V), lambda i: (i, 0))],
        out_specs=[pl.BlockSpec((blk,), lambda i: (i,)),
                   pl.BlockSpec((blk,), lambda i: (i,))],
        out_shape=[jax.ShapeDtypeStruct((B,), jnp.float32)] * 2,
    )(pred)


def _tc_combine(s2, se, sg, spe, sne, npos, w, B, V):
    def kern(s2_ref, se_ref, sg_ref, spe_ref, sne_ref, np_ref, w_ref, o_ref):
        npos = np_ref[...]
        mse = w_ref[...] * (s2_ref[...] - 2.0 * sg_ref[...] + npos)
        sett = spe_ref[...] * (se_ref[...] - sne_ref[...]) / (
            npos * (float(V) - npos))
        total = (jnp.sum(mse) + _LAMBDA * jnp.sum(sett)) * (1.0 / B)
        o_ref[...] = jnp.reshape(total, (1, 1))

    return pl.pallas_call(
        kern,
        out_shape=jax.ShapeDtypeStruct((1, 1), jnp.float32),
    )(s2, se, sg, spe, sne, npos, w)


def kernel(pred, target, weights):
    B, V = pred.shape
    S = target.shape[1]
    sg, spe, sne, npos = _make_sc_gather(B, V, S, R=32)(pred, target)
    s2, se = _tc_dense(pred, blk=512)
    out = _tc_combine(s2, se, sg, spe, sne, npos, weights, B, V)
    return out[0, 0]

# --- scband reference (transcript-rebuilt; emitter-appended) ---
"""Pipeline reference for scband-sets2-sets-loss-73220602462532 (READ-ONLY COPY).

The authoritative reference and input builder live on the scoring server;
editing this copy changes nothing except your own understanding.
"""

import jax, jax.numpy as jnp
import numpy as np

VOCAB_SIZE = 1000
LAMBDA_REG = 10.0
BATCH = 16384
SET_SIZE = 50


def setup_inputs(seed: int = 0) -> dict:
    key = jax.random.key(seed)
    k1, k2, k3 = jax.random.split(key, 3)
    pred = jax.random.normal(k1, (BATCH, VOCAB_SIZE), dtype=jnp.float32)
    target = jax.random.randint(k2, (BATCH, SET_SIZE), 0, VOCAB_SIZE, dtype=jnp.int32)
    weights = jax.random.uniform(k3, (BATCH,), dtype=jnp.float32)
    return {"pred": pred, "target": target, "weights": weights}


def reference(pred, target, weights):
    B, V = pred.shape
    # multi_hot.scatter_(1, target, 1.0)
    row_idx = jnp.arange(B, dtype=jnp.int32)[:, None]
    multi_hot = jnp.zeros((B, V), dtype=jnp.float32).at[row_idx, target].set(1.0)
    # weighted MSE term: weights.view(-1,1) * (pred - multi_hot)^2, summed, / batch
    mseloss = (weights.reshape(-1, 1) * (pred - multi_hot) ** 2).sum() / B
    # pairwise set loss. For each row:
    #   exp_loss = sum_{i in pos, j in neg} exp(-(p_i - p_j))
    # which factorizes exactly as (sum_pos exp(-p_i)) * (sum_neg exp(p_j)).
    n_pos = multi_hot.sum(axis=1)
    n_neg = V - n_pos
    pos_exp = (jnp.exp(-pred) * multi_hot).sum(axis=1)
    neg_exp = (jnp.exp(pred) * (1.0 - multi_hot)).sum(axis=1)
    set_loss = (pos_exp * neg_exp / (n_pos * n_neg)).mean()
    return mseloss + LAMBDA_REG * set_loss

if __name__ == "__main__":
    import jax
    _d = setup_inputs()
    print(jax.jit(kernel)(*tuple(_d.values())))

</pallas_src>

<mosaic_0001>
#map = affine_map<(d0, d1) -> (0, 0)>
#map1 = affine_map<(d0, d1) -> (0)>
module attributes {stable_mosaic.version = 14 : i64} {
  func.func @sc_gather(%arg0: i32, %arg1: i32, %arg2: memref<16384x1000xf32, #tpu.memory_space<hbm>>, %arg3: memref<16384x50xi32, #tpu.memory_space<hbm>>, %arg4: memref<16384xf32, #tpu.memory_space<hbm>>, %arg5: memref<16384xf32, #tpu.memory_space<hbm>>, %arg6: memref<16384xf32, #tpu.memory_space<hbm>>, %arg7: memref<16384xf32, #tpu.memory_space<hbm>>, %arg8: memref<64x1000xf32, #tpu.memory_space<vmem>>, %arg9: memref<64x50xi32, #tpu.memory_space<vmem>>, %arg10: memref<1008xi32, #tpu.memory_space<vmem>>, %arg11: memref<512xf32, #tpu.memory_space<vmem>>, %arg12: memref<512xf32, #tpu.memory_space<vmem>>, %arg13: memref<512xf32, #tpu.memory_space<vmem>>, %arg14: memref<512xf32, #tpu.memory_space<vmem>>, %arg15: memref<!tpu.dma_semaphore, #tpu.memory_space<semaphore_mem>>, %arg16: memref<!tpu.dma_semaphore, #tpu.memory_space<semaphore_mem>>) attributes {dimension_semantics = [#tpu.dimension_semantics<core_parallel>, #tpu.dimension_semantics<subcore_parallel>], iteration_bounds = array<i64: 2, 16>, scalar_prefetch = 0 : i64, scratch_operands = 9 : i64, tpu.core_type = #tpu.core_type<sc_vector_subcore>, window_params = [{transform_indices = #map}, {transform_indices = #map}, {transform_indices = #map1}, {transform_indices = #map1}, {transform_indices = #map1}, {transform_indices = #map1}]} {
    %mul3A = arith.constant 2 : i32
    %mul3A_0 = arith.muli %arg1, %mul3A : i32
    %add3A = arith.addi %mul3A_0, %arg0 : i32
    %mul3A_1 = arith.constant 512 : i32
    %mul3A_2 = arith.muli %add3A, %mul3A_1 : i32
    %iota3A = tpu.iota {dimensions = array<i32: 0>} : vector<16xi32>
    %broadcast_in_dim3A = arith.constant -1 : i32
    %broadcast_in_dim3A_3 = vector.broadcast %broadcast_in_dim3A : i32 to vector<16xi32>
    %add3A_4 = arith.constant 0 : i32
    %add3A_5 = arith.addi %mul3A_2, %add3A_4 : i32
    %dma_start3A = arith.constant 0 : i32
    %dma_start3A_6 = arith.constant 0 : i32
    %dma_start3A_7 = tpu.memref_slice %arg8[%dma_start3A, %dma_start3A_6] : memref<64x1000xf32, #tpu.memory_space<vmem>> -> memref<32x1000xf32, #tpu.memory_space<vmem>>
    %dma_start3A_8 = arith.constant 0 : i32
    %dma_start3A_9 = tpu.memref_slice %arg2[%add3A_5, %dma_start3A_8] : memref<16384x1000xf32, #tpu.memory_space<hbm>> -> memref<32x1000xf32, #tpu.memory_space<hbm>>
    %dma_start3A_10 = arith.constant 0 : i32
    %dma_start3A_11 = arith.constant 0 : i32
    %dma_start3A_12 = tpu.memref_slice %arg8[%dma_start3A_10, %dma_start3A_11] : memref<64x1000xf32, #tpu.memory_space<vmem>> -> memref<32x1000xf32, #tpu.memory_space<vmem>>
    %dma_start3A_13 = arith.constant 0 : i32
    %dma_start3A_14 = tpu.memref_slice %arg2[%add3A_5, %dma_start3A_13] : memref<16384x1000xf32, #tpu.memory_space<hbm>> -> memref<32x1000xf32, #tpu.memory_space<hbm>>
    tpu.enqueue_dma source(%dma_start3A_14 : memref<32x1000xf32, #tpu.memory_space<hbm>>) target(%dma_start3A_12 : memref<32x1000xf32, #tpu.memory_space<vmem>>) target_semaphore(%arg15 : memref<!tpu.dma_semaphore, #tpu.memory_space<semaphore_mem>>)
    %dma_start3A_15 = arith.constant 0 : i32
    %dma_start3A_16 = arith.constant 0 : i32
    %dma_start3A_17 = tpu.memref_slice %arg9[%dma_start3A_15, %dma_start3A_16] : memref<64x50xi32, #tpu.memory_space<vmem>> -> memref<32x50xi32, #tpu.memory_space<vmem>>
    %dma_start3A_18 = arith.constant 0 : i32
    %dma_start3A_19 = tpu.memref_slice %arg3[%add3A_5, %dma_start3A_18] : memref<16384x50xi32, #tpu.memory_space<hbm>> -> memref<32x50xi32, #tpu.memory_space<hbm>>
    %dma_start3A_20 = arith.constant 0 : i32
    %dma_start3A_21 = arith.constant 0 : i32
    %dma_start3A_22 = tpu.memref_slice %arg9[%dma_start3A_20, %dma_start3A_21] : memref<64x50xi32, #tpu.memory_space<vmem>> -> memref<32x50xi32, #tpu.memory_space<vmem>>
    %dma_start3A_23 = arith.constant 0 : i32
    %dma_start3A_24 = tpu.memref_slice %arg3[%add3A_5, %dma_start3A_23] : memref<16384x50xi32, #tpu.memory_space<hbm>> -> memref<32x50xi32, #tpu.memory_space<hbm>>
    tpu.enqueue_dma source(%dma_start3A_24 : memref<32x50xi32, #tpu.memory_space<hbm>>) target(%dma_start3A_22 : memref<32x50xi32, #tpu.memory_space<vmem>>) target_semaphore(%arg15 : memref<!tpu.dma_semaphore, #tpu.memory_space<semaphore_mem>>)
    %add3A_25 = arith.constant 32 : i32
    %add3A_26 = arith.addi %mul3A_2, %add3A_25 : i32
    %dma_start3A_27 = arith.constant 32 : i32
    %dma_start3A_28 = arith.constant 0 : i32
    %dma_start3A_29 = tpu.memref_slice %arg8[%dma_start3A_27, %dma_start3A_28] : memref<64x1000xf32, #tpu.memory_space<vmem>> -> memref<32x1000xf32, #tpu.memory_space<vmem>>
    %dma_start3A_30 = arith.constant 0 : i32
    %dma_start3A_31 = tpu.memref_slice %arg2[%add3A_26, %dma_start3A_30] : memref<16384x1000xf32, #tpu.memory_space<hbm>> -> memref<32x1000xf32, #tpu.memory_space<hbm>>
    %dma_start3A_32 = arith.constant 32 : i32
    %dma_start3A_33 = arith.constant 0 : i32
    %dma_start3A_34 = tpu.memref_slice %arg8[%dma_start3A_32, %dma_start3A_33] : memref<64x1000xf32, #tpu.memory_space<vmem>> -> memref<32x1000xf32, #tpu.memory_space<vmem>>
    %dma_start3A_35 = arith.constant 0 : i32
    %dma_start3A_36 = tpu.memref_slice %arg2[%add3A_26, %dma_start3A_35] : memref<16384x1000xf32, #tpu.memory_space<hbm>> -> memref<32x1000xf32, #tpu.memory_space<hbm>>
    tpu.enqueue_dma source(%dma_start3A_36 : memref<32x1000xf32, #tpu.memory_space<hbm>>) target(%dma_start3A_34 : memref<32x1000xf32, #tpu.memory_space<vmem>>) target_semaphore(%arg16 : memref<!tpu.dma_semaphore, #tpu.memory_space<semaphore_mem>>)
    %dma_start3A_37 = arith.constant 32 : i32
    %dma_start3A_38 = arith.constant 0 : i32
    %dma_start3A_39 = tpu.memref_slice %arg9[%dma_start3A_37, %dma_start3A_38] : memref<64x50xi32, #tpu.memory_space<vmem>> -> memref<32x50xi32, #tpu.memory_space<vmem>>
    %dma_start3A_40 = arith.constant 0 : i32
    %dma_start3A_41 = tpu.memref_slice %arg3[%add3A_26, %dma_start3A_40] : memref<16384x50xi32, #tpu.memory_space<hbm>> -> memref<32x50xi32, #tpu.memory_space<hbm>>
    %dma_start3A_42 = arith.constant 32 : i32
    %dma_start3A_43 = arith.constant 0 : i32
    %dma_start3A_44 = tpu.memref_slice %arg9[%dma_start3A_42, %dma_start3A_43] : memref<64x50xi32, #tpu.memory_space<vmem>> -> memref<32x50xi32, #tpu.memory_space<vmem>>
    %dma_start3A_45 = arith.constant 0 : i32
    %dma_start3A_46 = tpu.memref_slice %arg3[%add3A_26, %dma_start3A_45] : memref<16384x50xi32, #tpu.memory_space<hbm>> -> memref<32x50xi32, #tpu.memory_space<hbm>>
    tpu.enqueue_dma source(%dma_start3A_46 : memref<32x50xi32, #tpu.memory_space<hbm>>) target(%dma_start3A_44 : memref<32x50xi32, #tpu.memory_space<vmem>>) target_semaphore(%arg16 : memref<!tpu.dma_semaphore, #tpu.memory_space<semaphore_mem>>)
    %scan3A = arith.constant 0 : i32
    %scan3A_47 = arith.constant 0 : i32
    %scan3A_48 = arith.constant 63 : i32
    %scan3A_49 = arith.addi %scan3A_47, %scan3A_48 : i32
    %scan3A_50 = arith.constant 1 : i32
    %scan3A_51 = scf.for %scan3A_61 = %scan3A_47 to %scan3A_49 step %scan3A_50 iter_args(%scan3A_62 = %scan3A) -> (i32)  : i32 {
      %mul3A_63 = arith.constant 16 : i32
      %mul3A_64 = arith.muli %scan3A_61, %mul3A_63 : i32
      %swap3A = arith.index_cast %mul3A_64 : i32 to index
      %swap3A_65 = tpu.vector_load %arg10[%swap3A] {strides = array<i32>} : memref<1008xi32, #tpu.memory_space<vmem>>, vector<16xi32>,
      tpu.vector_store %arg10[%swap3A], %broadcast_in_dim3A_3 {strides = array<i32>} : memref<1008xi32, #tpu.memory_space<vmem>>, vector<16xi32>,
      %scan3A_66 = arith.constant 0 : i32
      scf.yield %scan3A_66 : i32
    }
    %scan3A_52 = arith.constant 63 : i32
    %broadcast_in_dim3A_53 = arith.constant 0.000000e+00 : f32
    %broadcast_in_dim3A_54 = vector.broadcast %broadcast_in_dim3A_53 : f32 to vector<16xf32>
    %scan3A_55 = arith.constant 0 : i32
    %scan3A_56 = arith.constant 8 : i32
    %scan3A_57 = arith.addi %scan3A_55, %scan3A_56 : i32
    %scan3A_58 = arith.constant 1 : i32
    %scan3A_59:4 = scf.for %scan3A_61 = %scan3A_55 to %scan3A_57 step %scan3A_58 iter_args(%scan3A_62 = %broadcast_in_dim3A_54, %scan3A_63 = %broadcast_in_dim3A_54, %scan3A_64 = %broadcast_in_dim3A_54, %scan3A_65 = %broadcast_in_dim3A_54) -> (vector<16xf32>, vector<16xf32>, vector<16xf32>, vector<16xf32>)  : i32 {
      %mul3A_66 = arith.constant 2 : i32
      %mul3A_67 = arith.muli %scan3A_61, %mul3A_66 : i32
      %dma_wait3A = arith.constant 0 : i32
      %dma_wait3A_68 = arith.constant 0 : i32
      %dma_wait3A_69 = tpu.memref_slice %arg8[%dma_wait3A, %dma_wait3A_68] : memref<64x1000xf32, #tpu.memory_space<vmem>> -> memref<32x1000xf32, #tpu.memory_space<vmem>>
      %dma_wait3A_70 = arith.constant 0 : i32
      %dma_wait3A_71 = arith.constant 0 : i32
      %dma_wait3A_72 = tpu.memref_slice %arg2[%dma_wait3A_70, %dma_wait3A_71] : memref<16384x1000xf32, #tpu.memory_space<hbm>> -> memref<32x1000xf32, #tpu.memory_space<hbm>>
      %dma_wait3A_73 = arith.constant 0 : i32
      %dma_wait3A_74 = arith.constant 0 : i32
      %dma_wait3A_75 = tpu.memref_slice %arg8[%dma_wait3A_73, %dma_wait3A_74] : memref<64x1000xf32, #tpu.memory_space<vmem>> -> memref<32x1000xf32, #tpu.memory_space<vmem>>
      %dma_wait3A_76 = arith.constant 0 : i32
      %dma_wait3A_77 = arith.constant 0 : i32
      %dma_wait3A_78 = tpu.memref_slice %arg2[%dma_wait3A_76, %dma_wait3A_77] : memref<16384x1000xf32, #tpu.memory_space<hbm>> -> memref<32x1000xf32, #tpu.memory_space<hbm>>
      tpu.wait_dma2 semaphore(%arg15 : memref<!tpu.dma_semaphore, #tpu.memory_space<semaphore_mem>>) src(%dma_wait3A_78 : memref<32x1000xf32, #tpu.memory_space<hbm>>) dst(%dma_wait3A_75 : memref<32x1000xf32, #tpu.memory_space<vmem>>)
      %dma_wait3A_79 = arith.constant 0 : i32
      %dma_wait3A_80 = arith.constant 0 : i32
      %dma_wait3A_81 = tpu.memref_slice %arg9[%dma_wait3A_79, %dma_wait3A_80] : memref<64x50xi32, #tpu.memory_space<vmem>> -> memref<32x50xi32, #tpu.memory_space<vmem>>
      %dma_wait3A_82 = arith.constant 0 : i32
      %dma_wait3A_83 = arith.constant 0 : i32
      %dma_wait3A_84 = tpu.memref_slice %arg3[%dma_wait3A_82, %dma_wait3A_83] : memref<16384x50xi32, #tpu.memory_space<hbm>> -> memref<32x50xi32, #tpu.memory_space<hbm>>
      %dma_wait3A_85 = arith.constant 0 : i32
      %dma_wait3A_86 = arith.constant 0 : i32
      %dma_wait3A_87 = tpu.memref_slice %arg9[%dma_wait3A_85, %dma_wait3A_86] : memref<64x50xi32, #tpu.memory_space<vmem>> -> memref<32x50xi32, #tpu.memory_space<vmem>>
      %dma_wait3A_88 = arith.constant 0 : i32
      %dma_wait3A_89 = arith.constant 0 : i32
      %dma_wait3A_90 = tpu.memref_slice %arg3[%dma_wait3A_88, %dma_wait3A_89] : memref<16384x50xi32, #tpu.memory_space<hbm>> -> memref<32x50xi32, #tpu.memory_space<hbm>>
      tpu.wait_dma2 semaphore(%arg15 : memref<!tpu.dma_semaphore, #tpu.memory_space<semaphore_mem>>) src(%dma_wait3A_90 : memref<32x50xi32, #tpu.memory_space<hbm>>) dst(%dma_wait3A_87 : memref<32x50xi32, #tpu.memory_space<vmem>>)
      %scan3A_91 = arith.constant 0 : i32
      %scan3A_92 = arith.constant 32 : i32
      %scan3A_93 = arith.addi %scan3A_91, %scan3A_92 : i32
      %scan3A_94 = arith.constant 2 : i32
      %scan3A_95:4 = scf.for %scan3A_140 = %scan3A_91 to %scan3A_93 step %scan3A_94 iter_args(%scan3A_141 = %scan3A_62, %scan3A_142 = %scan3A_63, %scan3A_143 = %scan3A_64, %scan3A_144 = %scan3A_65) -> (vector<16xf32>, vector<16xf32>, vector<16xf32>, vector<16xf32>)  : i32 {
        %broadcast_in_dim3A_145 = arith.constant 0.000000e+00 : f32
        %broadcast_in_dim3A_146 = vector.broadcast %broadcast_in_dim3A_145 : f32 to vector<16xf32>
        %mul3A_147 = arith.constant 32 : i32
        %mul3A_148 = arith.muli %mul3A_67, %mul3A_147 : i32
        %add3A_149 = arith.addi %mul3A_148, %scan3A_140 : i32
        %mul3A_150 = arith.constant 64 : i32
        %mul3A_151 = arith.muli %add3A_149, %mul3A_150 : i32
        %add3A_152 = arith.constant 0 : i32
        %add3A_153 = arith.addi %add3A_152, %scan3A_140 : i32
        %get3A = arith.index_cast %add3A_153 : i32 to index
        %get3A_154 = arith.constant 0 : index
        %get3A_155 = tpu.vector_load %arg9[%get3A, %get3A_154] {strides = array<i32>} : memref<64x50xi32, #tpu.memory_space<vmem>>, vector<16xi32>,
        %add3A_156 = arith.constant 0 : i32
        %add3A_157 = arith.addi %mul3A_151, %add3A_156 : i32
        %add3A_158 = vector.broadcast %add3A_157 : i32 to vector<16xi32>
        %add3A_159 = arith.addi %add3A_158, %iota3A : vector<16xi32>
        tpu.vector_store_idx %arg10[%get3A_155], %add3A_159 : memref<1008xi32, #tpu.memory_space<vmem>>[vector<16xi32>], vector<16xi32>,
        %add3A_160 = arith.constant 0 : i32
        %add3A_161 = arith.addi %add3A_160, %scan3A_140 : i32
        %get3A_162 = arith.index_cast %add3A_161 : i32 to index
        %get3A_163 = arith.constant 16 : index
        %get3A_164 = tpu.vector_load %arg9[%get3A_162, %get3A_163] {strides = array<i32>} : memref<64x50xi32, #tpu.memory_space<vmem>>, vector<16xi32>,
        %add3A_165 = arith.constant 16 : i32
        %add3A_166 = arith.addi %mul3A_151, %add3A_165 : i32
        %add3A_167 = vector.broadcast %add3A_166 : i32 to vector<16xi32>
        %add3A_168 = arith.addi %add3A_167, %iota3A : vector<16xi32>
        tpu.vector_store_idx %arg10[%get3A_164], %add3A_168 : memref<1008xi32, #tpu.memory_space<vmem>>[vector<16xi32>], vector<16xi32>,
        %add3A_169 = arith.constant 0 : i32
        %add3A_170 = arith.addi %add3A_169, %scan3A_140 : i32
        %get3A_171 = arith.index_cast %add3A_170 : i32 to index
        %get3A_172 = arith.constant 32 : index
        %get3A_173 = tpu.vector_load %arg9[%get3A_171, %get3A_172] {strides = array<i32>} : memref<64x50xi32, #tpu.memory_space<vmem>>, vector<16xi32>,
        %add3A_174 = arith.constant 32 : i32
        %add3A_175 = arith.addi %mul3A_151, %add3A_174 : i32
        %add3A_176 = vector.broadcast %add3A_175 : i32 to vector<16xi32>
        %add3A_177 = arith.addi %add3A_176, %iota3A : vector<16xi32>
        tpu.vector_store_idx %arg10[%get3A_173], %add3A_177 : memref<1008xi32, #tpu.memory_space<vmem>>[vector<16xi32>], vector<16xi32>,
        %add3A_178 = arith.constant 0 : i32
        %add3A_179 = arith.addi %add3A_178, %scan3A_140 : i32
        %get3A_180 = arith.index_cast %add3A_179 : i32 to index
        %get3A_181 = arith.constant 34 : index
        %get3A_182 = tpu.vector_load %arg9[%get3A_180, %get3A_181] {strides = array<i32>} : memref<64x50xi32, #tpu.memory_space<vmem>>, vector<16xi32>,
        %add3A_183 = arith.constant 48 : i32
        %add3A_184 = arith.addi %mul3A_151, %add3A_183 : i32
        %add3A_185 = vector.broadcast %add3A_184 : i32 to vector<16xi32>
        %add3A_186 = arith.addi %add3A_185, %iota3A : vector<16xi32>
        tpu.vector_store_idx %arg10[%get3A_182], %add3A_186 : memref<1008xi32, #tpu.memory_space<vmem>>[vector<16xi32>], vector<16xi32>,
        %broadcast_in_dim3A_187 = arith.constant 0 : i32
        %broadcast_in_dim3A_188 = vector.broadcast %broadcast_in_dim3A_187 : i32 to vector<16xi32>
        %add3A_189 = arith.constant 0 : i32
        %add3A_190 = arith.addi %add3A_189, %scan3A_140 : i32
        %broadcast_in_dim3A_191 = vector.broadcast %add3A_190 : i32 to vector<16xi32>
        %add3A_192 = arith.constant 0 : i32
        %add3A_193 = arith.addi %add3A_192, %scan3A_140 : i32
        %get3A_194 = arith.index_cast %add3A_193 : i32 to index
        %get3A_195 = arith.constant 0 : index
        %get3A_196 = tpu.vector_load %arg9[%get3A_194, %get3A_195] {strides = array<i32>} : memref<64x50xi32, #tpu.memory_space<vmem>>, vector<16xi32>,
        %gather3A = tpu.vector_load_idx %arg10[%get3A_196] : memref<1008xi32, #tpu.memory_space<vmem>>[vector<16xi32>], vector<16xi32>,
        %add3A_197 = arith.constant 0 : i32
        %add3A_198 = arith.addi %mul3A_151, %add3A_197 : i32
        %add3A_199 = vector.broadcast %add3A_198 : i32 to vector<16xi32>
        %add3A_200 = arith.addi %add3A_199, %iota3A : vector<16xi32>
        %eq3A = arith.cmpi eq, %gather3A, %add3A_200 : vector<16xi32>
        %jit3A = arith.constant 1.000000e+00 : f32
        %jit3A_201 = arith.constant 0.000000e+00 : f32
        %broadcast_in_dim3A_202 = vector.broadcast %jit3A : f32 to vector<16xf32>
        %broadcast_in_dim3A_203 = vector.broadcast %jit3A_201 : f32 to vector<16xf32>
        %select_n3A = arith.select %eq3A, %broadcast_in_dim3A_202, %broadcast_in_dim3A_203 : vector<16xi1>, vector<16xf32>
        %gather3A_204 = tpu.vector_load_idx %arg8[%broadcast_in_dim3A_191, %get3A_196] : memref<64x1000xf32, #tpu.memory_space<vmem>>[vector<16xi32>, vector<16xi32>], vector<16xf32>,
        %all_reduce_population_count3A = tpu.all_reduce %eq3A {dim = 0 : i64, kind = #tpu.reduction_kind<sum>} : vector<16xi1> -> vector<16xi32>
        %add3A_205 = arith.addi %broadcast_in_dim3A_188, %all_reduce_population_count3A : vector<16xi32>
        %mul3A_206 = arith.mulf %select_n3A, %gather3A_204 : vector<16xf32>
        %add3A_207 = arith.addf %broadcast_in_dim3A_146, %mul3A_206 : vector<16xf32>
        %neg3A = arith.constant 0.000000e+00 : f32
        %neg3A_208 = vector.broadcast %neg3A : f32 to vector<16xf32>
        %neg3A_209 = arith.subf %neg3A_208, %gather3A_204 : vector<16xf32>
        %exp3A = math.exp %neg3A_209 : vector<16xf32>
        %mul3A_210 = arith.mulf %select_n3A, %exp3A : vector<16xf32>
        %add3A_211 = arith.addf %broadcast_in_dim3A_146, %mul3A_210 : vector<16xf32>
        %exp3A_212 = math.exp %gather3A_204 : vector<16xf32>
        %mul3A_213 = arith.mulf %select_n3A, %exp3A_212 : vector<16xf32>
        %add3A_214 = arith.addf %broadcast_in_dim3A_146, %mul3A_213 : vector<16xf32>
        %add3A_215 = arith.constant 0 : i32
        %add3A_216 = arith.addi %add3A_215, %scan3A_140 : i32
        %get3A_217 = arith.index_cast %add3A_216 : i32 to index
        %get3A_218 = arith.constant 16 : index
        %get3A_219 = tpu.vector_load %arg9[%get3A_217, %get3A_218] {strides = array<i32>} : memref<64x50xi32, #tpu.memory_space<vmem>>, vector<16xi32>,
        %gather3A_220 = tpu.vector_load_idx %arg10[%get3A_219] : memref<1008xi32, #tpu.memory_space<vmem>>[vector<16xi32>], vector<16xi32>,
        %add3A_221 = arith.constant 16 : i32
        %add3A_222 = arith.addi %mul3A_151, %add3A_221 : i32
        %add3A_223 = vector.broadcast %add3A_222 : i32 to vector<16xi32>
        %add3A_224 = arith.addi %add3A_223, %iota3A : vector<16xi32>
        %eq3A_225 = arith.cmpi eq, %gather3A_220, %add3A_224 : vector<16xi32>
        %jit3A_226 = arith.constant 1.000000e+00 : f32
        %jit3A_227 = arith.constant 0.000000e+00 : f32
        %broadcast_in_dim3A_228 = vector.broadcast %jit3A_226 : f32 to vector<16xf32>
        %broadcast_in_dim3A_229 = vector.broadcast %jit3A_227 : f32 to vector<16xf32>
        %select_n3A_230 = arith.select %eq3A_225, %broadcast_in_dim3A_228, %broadcast_in_dim3A_229 : vector<16xi1>, vector<16xf32>
        %gather3A_231 = tpu.vector_load_idx %arg8[%broadcast_in_dim3A_191, %get3A_219] : memref<64x1000xf32, #tpu.memory_space<vmem>>[vector<16xi32>, vector<16xi32>], vector<16xf32>,
        %all_reduce_population_count3A_232 = tpu.all_reduce %eq3A_225 {dim = 0 : i64, kind = #tpu.reduction_kind<sum>} : vector<16xi1> -> vector<16xi32>
        %add3A_233 = arith.addi %add3A_205, %all_reduce_population_count3A_232 : vector<16xi32>
        %mul3A_234 = arith.mulf %select_n3A_230, %gather3A_231 : vector<16xf32>
        %add3A_235 = arith.addf %add3A_207, %mul3A_234 : vector<16xf32>
        %neg3A_236 = arith.constant 0.000000e+00 : f32
        %neg3A_237 = vector.broadcast %neg3A_236 : f32 to vector<16xf32>
        %neg3A_238 = arith.subf %neg3A_237, %gather3A_231 : vector<16xf32>
        %exp3A_239 = math.exp %neg3A_238 : vector<16xf32>
        %mul3A_240 = arith.mulf %select_n3A_230, %exp3A_239 : vector<16xf32>
        %add3A_241 = arith.addf %add3A_211, %mul3A_240 : vector<16xf32>
        %exp3A_242 = math.exp %gather3A_231 : vector<16xf32>
        %mul3A_243 = arith.mulf %select_n3A_230, %exp3A_242 : vector<16xf32>
        %add3A_244 = arith.addf %add3A_214, %mul3A_243 : vector<16xf32>
        %add3A_245 = arith.constant 0 : i32
        %add3A_246 = arith.addi %add3A_245, %scan3A_140 : i32
        %get3A_247 = arith.index_cast %add3A_246 : i32 to index
        %get3A_248 = arith.constant 32 : index
        %get3A_249 = tpu.vector_load %arg9[%get3A_247, %get3A_248] {strides = array<i32>} : memref<64x50xi32, #tpu.memory_space<vmem>>, vector<16xi32>,
        %gather3A_250 = tpu.vector_load_idx %arg10[%get3A_249] : memref<1008xi32, #tpu.memory_space<vmem>>[vector<16xi32>], vector<16xi32>,
        %add3A_251 = arith.constant 32 : i32
        %add3A_252 = arith.addi %mul3A_151, %add3A_251 : i32
        %add3A_253 = vector.broadcast %add3A_252 : i32 to vector<16xi32>
        %add3A_254 = arith.addi %add3A_253, %iota3A : vector<16xi32>
        %eq3A_255 = arith.cmpi eq, %gather3A_250, %add3A_254 : vector<16xi32>
        %jit3A_256 = arith.constant 1.000000e+00 : f32
        %jit3A_257 = arith.constant 0.000000e+00 : f32
        %broadcast_in_dim3A_258 = vector.broadcast %jit3A_256 : f32 to vector<16xf32>
        %broadcast_in_dim3A_259 = vector.broadcast %jit3A_257 : f32 to vector<16xf32>
        %select_n3A_260 = arith.select %eq3A_255, %broadcast_in_dim3A_258, %broadcast_in_dim3A_259 : vector<16xi1>, vector<16xf32>
        %gather3A_261 = tpu.vector_load_idx %arg8[%broadcast_in_dim3A_191, %get3A_249] : memref<64x1000xf32, #tpu.memory_space<vmem>>[vector<16xi32>, vector<16xi32>], vector<16xf32>,
        %all_reduce_population_count3A_262 = tpu.all_reduce %eq3A_255 {dim = 0 : i64, kind = #tpu.reduction_kind<sum>} : vector<16xi1> -> vector<16xi32>
        %add3A_263 = arith.addi %add3A_233, %all_reduce_population_count3A_262 : vector<16xi32>
        %mul3A_264 = arith.mulf %select_n3A_260, %gather3A_261 : vector<16xf32>
        %add3A_265 = arith.addf %add3A_235, %mul3A_264 : vector<16xf32>
        %neg3A_266 = arith.constant 0.000000e+00 : f32
        %neg3A_267 = vector.broadcast %neg3A_266 : f32 to vector<16xf32>
        %neg3A_268 = arith.subf %neg3A_267, %gather3A_261 : vector<16xf32>
        %exp3A_269 = math.exp %neg3A_268 : vector<16xf32>
        %mul3A_270 = arith.mulf %select_n3A_260, %exp3A_269 : vector<16xf32>
        %add3A_271 = arith.addf %add3A_241, %mul3A_270 : vector<16xf32>
        %exp3A_272 = math.exp %gather3A_261 : vector<16xf32>
        %mul3A_273 = arith.mulf %select_n3A_260, %exp3A_272 : vector<16xf32>
        %add3A_274 = arith.addf %add3A_244, %mul3A_273 : vector<16xf32>
        %add3A_275 = arith.constant 0 : i32
        %add3A_276 = arith.addi %add3A_275, %scan3A_140 : i32
        %get3A_277 = arith.index_cast %add3A_276 : i32 to index
        %get3A_278 = arith.constant 34 : index
        %get3A_279 = tpu.vector_load %arg9[%get3A_277, %get3A_278] {strides = array<i32>} : memref<64x50xi32, #tpu.memory_space<vmem>>, vector<16xi32>,
        %gather3A_280 = tpu.vector_load_idx %arg10[%get3A_279] : memref<1008xi32, #tpu.memory_space<vmem>>[vector<16xi32>], vector<16xi32>,
        %add3A_281 = arith.constant 48 : i32
        %add3A_282 = arith.addi %mul3A_151, %add3A_281 : i32
        %add3A_283 = vector.broadcast %add3A_282 : i32 to vector<16xi32>
        %add3A_284 = arith.addi %add3A_283, %iota3A : vector<16xi32>
        %eq3A_285 = arith.cmpi eq, %gather3A_280, %add3A_284 : vector<16xi32>
        %jit3A_286 = arith.constant 1.000000e+00 : f32
        %jit3A_287 = arith.constant 0.000000e+00 : f32
        %broadcast_in_dim3A_288 = vector.broadcast %jit3A_286 : f32 to vector<16xf32>
        %broadcast_in_dim3A_289 = vector.broadcast %jit3A_287 : f32 to vector<16xf32>
        %select_n3A_290 = arith.select %eq3A_285, %broadcast_in_dim3A_288, %broadcast_in_dim3A_289 : vector<16xi1>, vector<16xf32>
        %gather3A_291 = tpu.vector_load_idx %arg8[%broadcast_in_dim3A_191, %get3A_279] : memref<64x1000xf32, #tpu.memory_space<vmem>>[vector<16xi32>, vector<16xi32>], vector<16xf32>,
        %all_reduce_population_count3A_292 = tpu.all_reduce %eq3A_285 {dim = 0 : i64, kind = #tpu.reduction_kind<sum>} : vector<16xi1> -> vector<16xi32>
        %add3A_293 = arith.addi %add3A_263, %all_reduce_population_count3A_292 : vector<16xi32>
        %mul3A_294 = arith.mulf %select_n3A_290, %gather3A_291 : vector<16xf32>
        %add3A_295 = arith.addf %add3A_265, %mul3A_294 : vector<16xf32>
        %neg3A_296 = arith.constant 0.000000e+00 : f32
        %neg3A_297 = vector.broadcast %neg3A_296 : f32 to vector<16xf32>
        %neg3A_298 = arith.subf %neg3A_297, %gather3A_291 : vector<16xf32>
        %exp3A_299 = math.exp %neg3A_298 : vector<16xf32>
        %mul3A_300 = arith.mulf %select_n3A_290, %exp3A_299 : vector<16xf32>
        %add3A_301 = arith.addf %add3A_271, %mul3A_300 : vector<16xf32>
        %exp3A_302 = math.exp %gather3A_291 : vector<16xf32>
        %mul3A_303 = arith.mulf %select_n3A_290, %exp3A_302 : vector<16xf32>
        %add3A_304 = arith.addf %add3A_274, %mul3A_303 : vector<16xf32>
        %jit3A_305 = arith.constant 16 : i32
        %eq3A_306 = arith.constant 0 : i32
        %eq3A_307 = arith.cmpi eq, %jit3A_305, %eq3A_306 : i32
        %jit3A_308 = arith.constant 1 : i32
        %select_n3A_309 = arith.select %eq3A_307, %jit3A_308, %jit3A_305 : i32
        %rem3A = arith.remsi %scan3A_140, %select_n3A_309 : i32
        %ne3A = arith.constant 0 : i32
        %ne3A_310 = arith.cmpi ne, %rem3A, %ne3A : i32
        %lt3A_311 = arith.constant 0 : i32
        %lt3A_312 = arith.cmpi slt, %rem3A, %lt3A_311 : i32
        %lt3A_313 = arith.constant 0 : i32
        %lt3A_314 = arith.cmpi slt, %select_n3A_309, %lt3A_313 : i32
        %ne3A_315 = arith.xori %lt3A_312, %lt3A_314 : i1
        %and3A = arith.andi %ne3A_315, %ne3A_310 : i1
        %add3A_316 = arith.addi %rem3A, %select_n3A_309 : i32
        %select_n3A_317 = arith.select %and3A, %add3A_316, %rem3A : i32
        %eq3A_318 = vector.broadcast %select_n3A_317 : i32 to vector<16xi32>
        %eq3A_319 = arith.cmpi eq, %iota3A, %eq3A_318 : vector<16xi32>
        %reduce_sum3A = arith.constant true
        %reduce_sum3A_320 = vector.broadcast %reduce_sum3A : i1 to vector<16xi1>
        %reduce_sum3A_321 = tpu.scan <sum>, %add3A_295 masked %reduce_sum3A_320 : vector<16xf32>, vector<16xi1> -> vector<16xf32>
        %reduce_sum3A_322 = vector.extract %reduce_sum3A_321[15] : f32 from vector<16xf32>
        %broadcast_in_dim3A_323 = vector.broadcast %reduce_sum3A_322 : f32 to vector<16xf32>
        %select_n3A_324 = arith.select %eq3A_319, %broadcast_in_dim3A_323, %scan3A_141 : vector<16xi1>, vector<16xf32>
        %reduce_sum3A_325 = arith.constant true
        %reduce_sum3A_326 = vector.broadcast %reduce_sum3A_325 : i1 to vector<16xi1>
        %reduce_sum3A_327 = tpu.scan <sum>, %add3A_301 masked %reduce_sum3A_326 : vector<16xf32>, vector<16xi1> -> vector<16xf32>
        %reduce_sum3A_328 = vector.extract %reduce_sum3A_327[15] : f32 from vector<16xf32>
        %broadcast_in_dim3A_329 = vector.broadcast %reduce_sum3A_328 : f32 to vector<16xf32>
        %select_n3A_330 = arith.select %eq3A_319, %broadcast_in_dim3A_329, %scan3A_142 : vector<16xi1>, vector<16xf32>
        %reduce_sum3A_331 = arith.constant true
        %reduce_sum3A_332 = vector.broadcast %reduce_sum3A_331 : i1 to vector<16xi1>
        %reduce_sum3A_333 = tpu.scan <sum>, %add3A_304 masked %reduce_sum3A_332 : vector<16xf32>, vector<16xi1> -> vector<16xf32>
        %reduce_sum3A_334 = vector.extract %reduce_sum3A_333[15] : f32 from vector<16xf32>
        %broadcast_in_dim3A_335 = vector.broadcast %reduce_sum3A_334 : f32 to vector<16xf32>
        %select_n3A_336 = arith.select %eq3A_319, %broadcast_in_dim3A_335, %scan3A_143 : vector<16xi1>, vector<16xf32>
        %convert_element_type3A_337 = arith.sitofp %add3A_293 : vector<16xi32> to vector<16xf32>
        %select_n3A_338 = arith.select %eq3A_319, %convert_element_type3A_337, %scan3A_144 : vector<16xi1>, vector<16xf32>
        %jit3A_339 = arith.constant 16 : i32
        %eq3A_340 = arith.constant 0 : i32
        %eq3A_341 = arith.cmpi eq, %jit3A_339, %eq3A_340 : i32
        %jit3A_342 = arith.constant 1 : i32
        %select_n3A_343 = arith.select %eq3A_341, %jit3A_342, %jit3A_339 : i32
        %rem3A_344 = arith.remsi %scan3A_140, %select_n3A_343 : i32
        %ne3A_345 = arith.constant 0 : i32
        %ne3A_346 = arith.cmpi ne, %rem3A_344, %ne3A_345 : i32
        %lt3A_347 = arith.constant 0 : i32
        %lt3A_348 = arith.cmpi slt, %rem3A_344, %lt3A_347 : i32
        %lt3A_349 = arith.constant 0 : i32
        %lt3A_350 = arith.cmpi slt, %select_n3A_343, %lt3A_349 : i32
        %ne3A_351 = arith.xori %lt3A_348, %lt3A_350 : i1
        %and3A_352 = arith.andi %ne3A_351, %ne3A_346 : i1
        %add3A_353 = arith.addi %rem3A_344, %select_n3A_343 : i32
        %select_n3A_354 = arith.select %and3A_352, %add3A_353, %rem3A_344 : i32
        %eq3A_355 = arith.constant 15 : i32
        %eq3A_356 = arith.cmpi eq, %select_n3A_354, %eq3A_355 : i32
        %convert_element_type3A_357 = arith.extui %eq3A_356 : i1 to i32
        %cond3A_358 = arith.constant 0 : i32
        %cond3A_359 = arith.cmpi ne, %convert_element_type3A_357, %cond3A_358 : i32
        scf.if %cond3A_359 {
          %mul3A_589 = arith.constant 32 : i32
          %mul3A_590 = arith.muli %mul3A_67, %mul3A_589 : i32
          %add3A_591 = arith.addi %mul3A_590, %scan3A_140 : i32
          %sub3A = arith.constant 15 : i32
          %sub3A_592 = arith.subi %add3A_591, %sub3A : i32
          %swap3A = arith.index_cast %sub3A_592 : i32 to index
          %swap3A_593 = tpu.vector_load %arg11[%swap3A] {strides = array<i32>} : memref<512xf32, #tpu.memory_space<vmem>>, vector<16xf32>,
          tpu.vector_store %arg11[%swap3A], %select_n3A_324 {strides = array<i32>} : memref<512xf32, #tpu.memory_space<vmem>>, vector<16xf32>,
          %swap3A_594 = arith.index_cast %sub3A_592 : i32 to index
          %swap3A_595 = tpu.vector_load %arg12[%swap3A_594] {strides = array<i32>} : memref<512xf32, #tpu.memory_space<vmem>>, vector<16xf32>,
          tpu.vector_store %arg12[%swap3A_594], %select_n3A_330 {strides = array<i32>} : memref<512xf32, #tpu.memory_space<vmem>>, vector<16xf32>,
          %swap3A_596 = arith.index_cast %sub3A_592 : i32 to index
          %swap3A_597 = tpu.vector_load %arg13[%swap3A_596] {strides = array<i32>} : memref<512xf32, #tpu.memory_space<vmem>>, vector<16xf32>,
          tpu.vector_store %arg13[%swap3A_596], %select_n3A_336 {strides = array<i32>} : memref<512xf32, #tpu.memory_space<vmem>>, vector<16xf32>,
          %swap3A_598 = arith.index_cast %sub3A_592 : i32 to index
          %swap3A_599 = tpu.vector_load %arg14[%swap3A_598] {strides = array<i32>} : memref<512xf32, #tpu.memory_space<vmem>>, vector<16xf32>,
          tpu.vector_store %arg14[%swap3A_598], %select_n3A_338 {strides = array<i32>} : memref<512xf32, #tpu.memory_space<vmem>>, vector<16xf32>,
        } else {
        }
        %scan3A_360 = arith.constant 1 : i32
        %scan3A_361 = arith.addi %scan3A_140, %scan3A_360 : i32
        %broadcast_in_dim3A_362 = arith.constant 0.000000e+00 : f32
        %broadcast_in_dim3A_363 = vector.broadcast %broadcast_in_dim3A_362 : f32 to vector<16xf32>
        %mul3A_364 = arith.constant 32 : i32
        %mul3A_365 = arith.muli %mul3A_67, %mul3A_364 : i32
        %add3A_366 = arith.addi %mul3A_365, %scan3A_361 : i32
        %mul3A_367 = arith.constant 64 : i32
        %mul3A_368 = arith.muli %add3A_366, %mul3A_367 : i32
        %add3A_369 = arith.constant 0 : i32
        %add3A_370 = arith.addi %add3A_369, %scan3A_361 : i32
        %get3A_371 = arith.index_cast %add3A_370 : i32 to index
        %get3A_372 = arith.constant 0 : index
        %get3A_373 = tpu.vector_load %arg9[%get3A_371, %get3A_372] {strides = array<i32>} : memref<64x50xi32, #tpu.memory_space<vmem>>, vector<16xi32>,
        %add3A_374 = arith.constant 0 : i32
        %add3A_375 = arith.addi %mul3A_368, %add3A_374 : i32
        %add3A_376 = vector.broadcast %add3A_375 : i32 to vector<16xi32>
        %add3A_377 = arith.addi %add3A_376, %iota3A : vector<16xi32>
        tpu.vector_store_idx %arg10[%get3A_373], %add3A_377 : memref<1008xi32, #tpu.memory_space<vmem>>[vector<16xi32>], vector<16xi32>,
        %add3A_378 = arith.constant 0 : i32
        %add3A_379 = arith.addi %add3A_378, %scan3A_361 : i32
        %get3A_380 = arith.index_cast %add3A_379 : i32 to index
        %get3A_381 = arith.constant 16 : index
        %get3A_382 = tpu.vector_load %arg9[%get3A_380, %get3A_381] {strides = array<i32>} : memref<64x50xi32, #tpu.memory_space<vmem>>, vector<16xi32>,
        %add3A_383 = arith.constant 16 : i32
        %add3A_384 = arith.addi %mul3A_368, %add3A_383 : i32
        %add3A_385 = vector.broadcast %add3A_384 : i32 to vector<16xi32>
        %add3A_386 = arith.addi %add3A_385, %iota3A : vector<16xi32>
        tpu.vector_store_idx %arg10[%get3A_382], %add3A_386 : memref<1008xi32, #tpu.memory_space<vmem>>[vector<16xi32>], vector<16xi32>,
        %add3A_387 = arith.constant 0 : i32
        %add3A_388 = arith.addi %add3A_387, %scan3A_361 : i32
        %get3A_389 = arith.index_cast %add3A_388 : i32 to index
        %get3A_390 = arith.constant 32 : index
        %get3A_391 = tpu.vector_load %arg9[%get3A_389, %get3A_390] {strides = array<i32>} : memref<64x50xi32, #tpu.memory_space<vmem>>, vector<16xi32>,
        %add3A_392 = arith.constant 32 : i32
        %add3A_393 = arith.addi %mul3A_368, %add3A_392 : i32
        %add3A_394 = vector.broadcast %add3A_393 : i32 to vector<16xi32>
        %add3A_395 = arith.addi %add3A_394, %iota3A : vector<16xi32>
        tpu.vector_store_idx %arg10[%get3A_391], %add3A_395 : memref<1008xi32, #tpu.memory_space<vmem>>[vector<16xi32>], vector<16xi32>,
        %add3A_396 = arith.constant 0 : i32
        %add3A_397 = arith.addi %add3A_396, %scan3A_361 : i32
        %get3A_398 = arith.index_cast %add3A_397 : i32 to index
        %get3A_399 = arith.constant 34 : index
        %get3A_400 = tpu.vector_load %arg9[%get3A_398, %get3A_399] {strides = array<i32>} : memref<64x50xi32, #tpu.memory_space<vmem>>, vector<16xi32>,
        %add3A_401 = arith.constant 48 : i32
        %add3A_402 = arith.addi %mul3A_368, %add3A_401 : i32
        %add3A_403 = vector.broadcast %add3A_402 : i32 to vector<16xi32>
        %add3A_404 = arith.addi %add3A_403, %iota3A : vector<16xi32>
        tpu.vector_store_idx %arg10[%get3A_400], %add3A_404 : memref<1008xi32, #tpu.memory_space<vmem>>[vector<16xi32>], vector<16xi32>,
        %broadcast_in_dim3A_405 = arith.constant 0 : i32
        %broadcast_in_dim3A_406 = vector.broadcast %broadcast_in_dim3A_405 : i32 to vector<16xi32>
        %add3A_407 = arith.constant 0 : i32
        %add3A_408 = arith.addi %add3A_407, %scan3A_361 : i32
        %broadcast_in_dim3A_409 = vector.broadcast %add3A_408 : i32 to vector<16xi32>
        %add3A_410 = arith.constant 0 : i32
        %add3A_411 = arith.addi %add3A_410, %scan3A_361 : i32
        %get3A_412 = arith.index_cast %add3A_411 : i32 to index
        %get3A_413 = arith.constant 0 : index
        %get3A_414 = tpu.vector_load %arg9[%get3A_412, %get3A_413] {strides = array<i32>} : memref<64x50xi32, #tpu.memory_space<vmem>>, vector<16xi32>,
        %gather3A_415 = tpu.vector_load_idx %arg10[%get3A_414] : memref<1008xi32, #tpu.memory_space<vmem>>[vector<16xi32>], vector<16xi32>,
        %add3A_416 = arith.constant 0 : i32
        %add3A_417 = arith.addi %mul3A_368, %add3A_416 : i32
        %add3A_418 = vector.broadcast %add3A_417 : i32 to vector<16xi32>
        %add3A_419 = arith.addi %add3A_418, %iota3A : vector<16xi32>
        %eq3A_420 = arith.cmpi eq, %gather3A_415, %add3A_419 : vector<16xi32>
        %jit3A_421 = arith.constant 1.000000e+00 : f32
        %jit3A_422 = arith.constant 0.000000e+00 : f32
        %broadcast_in_dim3A_423 = vector.broadcast %jit3A_421 : f32 to vector<16xf32>
        %broadcast_in_dim3A_424 = vector.broadcast %jit3A_422 : f32 to vector<16xf32>
        %select_n3A_425 = arith.select %eq3A_420, %broadcast_in_dim3A_423, %broadcast_in_dim3A_424 : vector<16xi1>, vector<16xf32>
        %gather3A_426 = tpu.vector_load_idx %arg8[%broadcast_in_dim3A_409, %get3A_414] : memref<64x1000xf32, #tpu.memory_space<vmem>>[vector<16xi32>, vector<16xi32>], vector<16xf32>,
        %all_reduce_population_count3A_427 = tpu.all_reduce %eq3A_420 {dim = 0 : i64, kind = #tpu.reduction_kind<sum>} : vector<16xi1> -> vector<16xi32>
        %add3A_428 = arith.addi %broadcast_in_dim3A_406, %all_reduce_population_count3A_427 : vector<16xi32>
        %mul3A_429 = arith.mulf %select_n3A_425, %gather3A_426 : vector<16xf32>
        %add3A_430 = arith.addf %broadcast_in_dim3A_363, %mul3A_429 : vector<16xf32>
        %neg3A_431 = arith.constant 0.000000e+00 : f32
        %neg3A_432 = vector.broadcast %neg3A_431 : f32 to vector<16xf32>
        %neg3A_433 = arith.subf %neg3A_432, %gather3A_426 : vector<16xf32>
        %exp3A_434 = math.exp %neg3A_433 : vector<16xf32>
        %mul3A_435 = arith.mulf %select_n3A_425, %exp3A_434 : vector<16xf32>
        %add3A_436 = arith.addf %broadcast_in_dim3A_363, %mul3A_435 : vector<16xf32>
        %exp3A_437 = math.exp %gather3A_426 : vector<16xf32>
        %mul3A_438 = arith.mulf %select_n3A_425, %exp3A_437 : vector<16xf32>
        %add3A_439 = arith.addf %broadcast_in_dim3A_363, %mul3A_438 : vector<16xf32>
        %add3A_440 = arith.constant 0 : i32
        %add3A_441 = arith.addi %add3A_440, %scan3A_361 : i32
        %get3A_442 = arith.index_cast %add3A_441 : i32 to index
        %get3A_443 = arith.constant 16 : index
        %get3A_444 = tpu.vector_load %arg9[%get3A_442, %get3A_443] {strides = array<i32>} : memref<64x50xi32, #tpu.memory_space<vmem>>, vector<16xi32>,
        %gather3A_445 = tpu.vector_load_idx %arg10[%get3A_444] : memref<1008xi32, #tpu.memory_space<vmem>>[vector<16xi32>], vector<16xi32>,
        %add3A_446 = arith.constant 16 : i32
        %add3A_447 = arith.addi %mul3A_368, %add3A_446 : i32
        %add3A_448 = vector.broadcast %add3A_447 : i32 to vector<16xi32>
        %add3A_449 = arith.addi %add3A_448, %iota3A : vector<16xi32>
        %eq3A_450 = arith.cmpi eq, %gather3A_445, %add3A_449 : vector<16xi32>
        %jit3A_451 = arith.constant 1.000000e+00 : f32
        %jit3A_452 = arith.constant 0.000000e+00 : f32
        %broadcast_in_dim3A_453 = vector.broadcast %jit3A_451 : f32 to vector<16xf32>
        %broadcast_in_dim3A_454 = vector.broadcast %jit3A_452 : f32 to vector<16xf32>
        %select_n3A_455 = arith.select %eq3A_450, %broadcast_in_dim3A_453, %broadcast_in_dim3A_454 : vector<16xi1>, vector<16xf32>
        %gather3A_456 = tpu.vector_load_idx %arg8[%broadcast_in_dim3A_409, %get3A_444] : memref<64x1000xf32, #tpu.memory_space<vmem>>[vector<16xi32>, vector<16xi32>], vector<16xf32>,
        %all_reduce_population_count3A_457 = tpu.all_reduce %eq3A_450 {dim = 0 : i64, kind = #tpu.reduction_kind<sum>} : vector<16xi1> -> vector<16xi32>
        %add3A_458 = arith.addi %add3A_428, %all_reduce_population_count3A_457 : vector<16xi32>
        %mul3A_459 = arith.mulf %select_n3A_455, %gather3A_456 : vector<16xf32>
        %add3A_460 = arith.addf %add3A_430, %mul3A_459 : vector<16xf32>
        %neg3A_461 = arith.constant 0.000000e+00 : f32
        %neg3A_462 = vector.broadcast %neg3A_461 : f32 to vector<16xf32>
        %neg3A_463 = arith.subf %neg3A_462, %gather3A_456 : vector<16xf32>
        %exp3A_464 = math.exp %neg3A_463 : vector<16xf32>
        %mul3A_465 = arith.mulf %select_n3A_455, %exp3A_464 : vector<16xf32>
        %add3A_466 = arith.addf %add3A_436, %mul3A_465 : vector<16xf32>
        %exp3A_467 = math.exp %gather3A_456 : vector<16xf32>
        %mul3A_468 = arith.mulf %select_n3A_455, %exp3A_467 : vector<16xf32>
        %add3A_469 = arith.addf %add3A_439, %mul3A_468 : vector<16xf32>
        %add3A_470 = arith.constant 0 : i32
        %add3A_471 = arith.addi %add3A_470, %scan3A_361 : i32
        %get3A_472 = arith.index_cast %add3A_471 : i32 to index
        %get3A_473 = arith.constant 32 : index
        %get3A_474 = tpu.vector_load %arg9[%get3A_472, %get3A_473] {strides = array<i32>} : memref<64x50xi32, #tpu.memory_space<vmem>>, vector<16xi32>,
        %gather3A_475 = tpu.vector_load_idx %arg10[%get3A_474] : memref<1008xi32, #tpu.memory_space<vmem>>[vector<16xi32>], vector<16xi32>,
        %add3A_476 = arith.constant 32 : i32
        %add3A_477 = arith.addi %mul3A_368, %add3A_476 : i32
        %add3A_478 = vector.broadcast %add3A_477 : i32 to vector<16xi32>
        %add3A_479 = arith.addi %add3A_478, %iota3A : vector<16xi32>
        %eq3A_480 = arith.cmpi eq, %gather3A_475, %add3A_479 : vector<16xi32>
        %jit3A_481 = arith.constant 1.000000e+00 : f32
        %jit3A_482 = arith.constant 0.000000e+00 : f32
        %broadcast_in_dim3A_483 = vector.broadcast %jit3A_481 : f32 to vector<16xf32>
        %broadcast_in_dim3A_484 = vector.broadcast %jit3A_482 : f32 to vector<16xf32>
        %select_n3A_485 = arith.select %eq3A_480, %broadcast_in_dim3A_483, %broadcast_in_dim3A_484 : vector<16xi1>, vector<16xf32>
        %gather3A_486 = tpu.vector_load_idx %arg8[%broadcast_in_dim3A_409, %get3A_474] : memref<64x1000xf32, #tpu.memory_space<vmem>>[vector<16xi32>, vector<16xi32>], vector<16xf32>,
        %all_reduce_population_count3A_487 = tpu.all_reduce %eq3A_480 {dim = 0 : i64, kind = #tpu.reduction_kind<sum>} : vector<16xi1> -> vector<16xi32>
        %add3A_488 = arith.addi %add3A_458, %all_reduce_population_count3A_487 : vector<16xi32>
        %mul3A_489 = arith.mulf %select_n3A_485, %gather3A_486 : vector<16xf32>
        %add3A_490 = arith.addf %add3A_460, %mul3A_489 : vector<16xf32>
        %neg3A_491 = arith.constant 0.000000e+00 : f32
        %neg3A_492 = vector.broadcast %neg3A_491 : f32 to vector<16xf32>
        %neg3A_493 = arith.subf %neg3A_492, %gather3A_486 : vector<16xf32>
        %exp3A_494 = math.exp %neg3A_493 : vector<16xf32>
        %mul3A_495 = arith.mulf %select_n3A_485, %exp3A_494 : vector<16xf32>
        %add3A_496 = arith.addf %add3A_466, %mul3A_495 : vector<16xf32>
        %exp3A_497 = math.exp %gather3A_486 : vector<16xf32>
        %mul3A_498 = arith.mulf %select_n3A_485, %exp3A_497 : vector<16xf32>
        %add3A_499 = arith.addf %add3A_469, %mul3A_498 : vector<16xf32>
        %add3A_500 = arith.constant 0 : i32
        %add3A_501 = arith.addi %add3A_500, %scan3A_361 : i32
        %get3A_502 = arith.index_cast %add3A_501 : i32 to index
        %get3A_503 = arith.constant 34 : index
        %get3A_504 = tpu.vector_load %arg9[%get3A_502, %get3A_503] {strides = array<i32>} : memref<64x50xi32, #tpu.memory_space<vmem>>, vector<16xi32>,
        %gather3A_505 = tpu.vector_load_idx %arg10[%get3A_504] : memref<1008xi32, #tpu.memory_space<vmem>>[vector<16xi32>], vector<16xi32>,
        %add3A_506 = arith.constant 48 : i32
        %add3A_507 = arith.addi %mul3A_368, %add3A_506 : i32
        %add3A_508 = vector.broadcast %add3A_507 : i32 to vector<16xi32>
        %add3A_509 = arith.addi %add3A_508, %iota3A : vector<16xi32>
        %eq3A_510 = arith.cmpi eq, %gather3A_505, %add3A_509 : vector<16xi32>
        %jit3A_511 = arith.constant 1.000000e+00 : f32
        %jit3A_512 = arith.constant 0.000000e+00 : f32
        %broadcast_in_dim3A_513 = vector.broadcast %jit3A_511 : f32 to vector<16xf32>
        %broadcast_in_dim3A_514 = vector.broadcast %jit3A_512 : f32 to vector<16xf32>
        %select_n3A_515 = arith.select %eq3A_510, %broadcast_in_dim3A_513, %broadcast_in_dim3A_514 : vector<16xi1>, vector<16xf32>
        %gather3A_516 = tpu.vector_load_idx %arg8[%broadcast_in_dim3A_409, %get3A_504] : memref<64x1000xf32, #tpu.memory_space<vmem>>[vector<16xi32>, vector<16xi32>], vector<16xf32>,
        %all_reduce_population_count3A_517 = tpu.all_reduce %eq3A_510 {dim = 0 : i64, kind = #tpu.reduction_kind<sum>} : vector<16xi1> -> vector<16xi32>
        %add3A_518 = arith.addi %add3A_488, %all_reduce_population_count3A_517 : vector<16xi32>
        %mul3A_519 = arith.mulf %select_n3A_515, %gather3A_516 : vector<16xf32>
        %add3A_520 = arith.addf %add3A_490, %mul3A_519 : vector<16xf32>
        %neg3A_521 = arith.constant 0.000000e+00 : f32
        %neg3A_522 = vector.broadcast %neg3A_521 : f32 to vector<16xf32>
        %neg3A_523 = arith.subf %neg3A_522, %gather3A_516 : vector<16xf32>
        %exp3A_524 = math.exp %neg3A_523 : vector<16xf32>
        %mul3A_525 = arith.mulf %select_n3A_515, %exp3A_524 : vector<16xf32>
        %add3A_526 = arith.addf %add3A_496, %mul3A_525 : vector<16xf32>
        %exp3A_527 = math.exp %gather3A_516 : vector<16xf32>
        %mul3A_528 = arith.mulf %select_n3A_515, %exp3A_527 : vector<16xf32>
        %add3A_529 = arith.addf %add3A_499, %mul3A_528 : vector<16xf32>
        %jit3A_530 = arith.constant 16 : i32
        %eq3A_531 = arith.constant 0 : i32
        %eq3A_532 = arith.cmpi eq, %jit3A_530, %eq3A_531 : i32
        %jit3A_533 = arith.constant 1 : i32
        %select_n3A_534 = arith.select %eq3A_532, %jit3A_533, %jit3A_530 : i32
        %rem3A_535 = arith.remsi %scan3A_361, %select_n3A_534 : i32
        %ne3A_536 = arith.constant 0 : i32
        %ne3A_537 = arith.cmpi ne, %rem3A_535, %ne3A_536 : i32
        %lt3A_538 = arith.constant 0 : i32
        %lt3A_539 = arith.cmpi slt, %rem3A_535, %lt3A_538 : i32
        %lt3A_540 = arith.constant 0 : i32
        %lt3A_541 = arith.cmpi slt, %select_n3A_534, %lt3A_540 : i32
        %ne3A_542 = arith.xori %lt3A_539, %lt3A_541 : i1
        %and3A_543 = arith.andi %ne3A_542, %ne3A_537 : i1
        %add3A_544 = arith.addi %rem3A_535, %select_n3A_534 : i32
        %select_n3A_545 = arith.select %and3A_543, %add3A_544, %rem3A_535 : i32
        %eq3A_546 = vector.broadcast %select_n3A_545 : i32 to vector<16xi32>
        %eq3A_547 = arith.cmpi eq, %iota3A, %eq3A_546 : vector<16xi32>
        %reduce_sum3A_548 = arith.constant true
        %reduce_sum3A_549 = vector.broadcast %reduce_sum3A_548 : i1 to vector<16xi1>
        %reduce_sum3A_550 = tpu.scan <sum>, %add3A_520 masked %reduce_sum3A_549 : vector<16xf32>, vector<16xi1> -> vector<16xf32>
        %reduce_sum3A_551 = vector.extract %reduce_sum3A_550[15] : f32 from vector<16xf32>
        %broadcast_in_dim3A_552 = vector.broadcast %reduce_sum3A_551 : f32 to vector<16xf32>
        %select_n3A_553 = arith.select %eq3A_547, %broadcast_in_dim3A_552, %select_n3A_324 : vector<16xi1>, vector<16xf32>
        %reduce_sum3A_554 = arith.constant true
        %reduce_sum3A_555 = vector.broadcast %reduce_sum3A_554 : i1 to vector<16xi1>
        %reduce_sum3A_556 = tpu.scan <sum>, %add3A_526 masked %reduce_sum3A_555 : vector<16xf32>, vector<16xi1> -> vector<16xf32>
        %reduce_sum3A_557 = vector.extract %reduce_sum3A_556[15] : f32 from vector<16xf32>
        %broadcast_in_dim3A_558 = vector.broadcast %reduce_sum3A_557 : f32 to vector<16xf32>
        %select_n3A_559 = arith.select %eq3A_547, %broadcast_in_dim3A_558, %select_n3A_330 : vector<16xi1>, vector<16xf32>
        %reduce_sum3A_560 = arith.constant true
        %reduce_sum3A_561 = vector.broadcast %reduce_sum3A_560 : i1 to vector<16xi1>
        %reduce_sum3A_562 = tpu.scan <sum>, %add3A_529 masked %reduce_sum3A_561 : vector<16xf32>, vector<16xi1> -> vector<16xf32>
        %reduce_sum3A_563 = vector.extract %reduce_sum3A_562[15] : f32 from vector<16xf32>
        %broadcast_in_dim3A_564 = vector.broadcast %reduce_sum3A_563 : f32 to vector<16xf32>
        %select_n3A_565 = arith.select %eq3A_547, %broadcast_in_dim3A_564, %select_n3A_336 : vector<16xi1>, vector<16xf32>
        %convert_element_type3A_566 = arith.sitofp %add3A_518 : vector<16xi32> to vector<16xf32>
        %select_n3A_567 = arith.select %eq3A_547, %convert_element_type3A_566, %select_n3A_338 : vector<16xi1>, vector<16xf32>
        %jit3A_568 = arith.constant 16 : i32
        %eq3A_569 = arith.constant 0 : i32
        %eq3A_570 = arith.cmpi eq, %jit3A_568, %eq3A_569 : i32
        %jit3A_571 = arith.constant 1 : i32
        %select_n3A_572 = arith.select %eq3A_570, %jit3A_571, %jit3A_568 : i32
        %rem3A_573 = arith.remsi %scan3A_361, %select_n3A_572 : i32
        %ne3A_574 = arith.constant 0 : i32
        %ne3A_575 = arith.cmpi ne, %rem3A_573, %ne3A_574 : i32
        %lt3A_576 = arith.constant 0 : i32
        %lt3A_577 = arith.cmpi slt, %rem3A_573, %lt3A_576 : i32
        %lt3A_578 = arith.constant 0 : i32
        %lt3A_579 = arith.cmpi slt, %select_n3A_572, %lt3A_578 : i32
        %ne3A_580 = arith.xori %lt3A_577, %lt3A_579 : i1
        %and3A_581 = arith.andi %ne3A_580, %ne3A_575 : i1
        %add3A_582 = arith.addi %rem3A_573, %select_n3A_572 : i32
        %select_n3A_583 = arith.select %and3A_581, %add3A_582, %rem3A_573 : i32
        %eq3A_584 = arith.constant 15 : i32
        %eq3A_585 = arith.cmpi eq, %select_n3A_583, %eq3A_584 : i32
        %convert_element_type3A_586 = arith.extui %eq3A_585 : i1 to i32
        %cond3A_587 = arith.constant 0 : i32
        %cond3A_588 = arith.cmpi ne, %convert_element_type3A_586, %cond3A_587 : i32
        scf.if %cond3A_588 {
          %mul3A_589 = arith.constant 32 : i32
          %mul3A_590 = arith.muli %mul3A_67, %mul3A_589 : i32
          %add3A_591 = arith.addi %mul3A_590, %scan3A_361 : i32
          %sub3A = arith.constant 15 : i32
          %sub3A_592 = arith.subi %add3A_591, %sub3A : i32
          %swap3A = arith.index_cast %sub3A_592 : i32 to index
          %swap3A_593 = tpu.vector_load %arg11[%swap3A] {strides = array<i32>} : memref<512xf32, #tpu.memory_space<vmem>>, vector<16xf32>,
          tpu.vector_store %arg11[%swap3A], %select_n3A_553 {strides = array<i32>} : memref<512xf32, #tpu.memory_space<vmem>>, vector<16xf32>,
          %swap3A_594 = arith.index_cast %sub3A_592 : i32 to index
          %swap3A_595 = tpu.vector_load %arg12[%swap3A_594] {strides = array<i32>} : memref<512xf32, #tpu.memory_space<vmem>>, vector<16xf32>,
          tpu.vector_store %arg12[%swap3A_594], %select_n3A_559 {strides = array<i32>} : memref<512xf32, #tpu.memory_space<vmem>>, vector<16xf32>,
          %swap3A_596 = arith.index_cast %sub3A_592 : i32 to index
          %swap3A_597 = tpu.vector_load %arg13[%swap3A_596] {strides = array<i32>} : memref<512xf32, #tpu.memory_space<vmem>>, vector<16xf32>,
          tpu.vector_store %arg13[%swap3A_596], %select_n3A_565 {strides = array<i32>} : memref<512xf32, #tpu.memory_space<vmem>>, vector<16xf32>,
          %swap3A_598 = arith.index_cast %sub3A_592 : i32 to index
          %swap3A_599 = tpu.vector_load %arg14[%swap3A_598] {strides = array<i32>} : memref<512xf32, #tpu.memory_space<vmem>>, vector<16xf32>,
          tpu.vector_store %arg14[%swap3A_598], %select_n3A_567 {strides = array<i32>} : memref<512xf32, #tpu.memory_space<vmem>>, vector<16xf32>,
        } else {
        }
        scf.yield %select_n3A_553, %select_n3A_559, %select_n3A_565, %select_n3A_567 : vector<16xf32>, vector<16xf32>, vector<16xf32>, vector<16xf32>
      }
      %scan3A_96 = arith.constant 32 : i32
      %add3A_97 = arith.constant 2 : i32
      %add3A_98 = arith.addi %mul3A_67, %add3A_97 : i32
      %lt3A = arith.constant 16 : i32
      %lt3A_99 = arith.cmpi slt, %add3A_98, %lt3A : i32
      %convert_element_type3A = arith.extui %lt3A_99 : i1 to i32
      %cond3A = arith.constant 0 : i32
      %cond3A_100 = arith.cmpi ne, %convert_element_type3A, %cond3A : i32
      scf.if %cond3A_100 {
        %add3A_140 = arith.constant 2 : i32
        %add3A_141 = arith.addi %mul3A_67, %add3A_140 : i32
        %mul3A_142 = arith.constant 32 : i32
        %mul3A_143 = arith.muli %add3A_141, %mul3A_142 : i32
        %add3A_144 = arith.addi %mul3A_2, %mul3A_143 : i32
        %dma_start3A_145 = arith.constant 0 : i32
        %dma_start3A_146 = arith.constant 0 : i32
        %dma_start3A_147 = tpu.memref_slice %arg8[%dma_start3A_145, %dma_start3A_146] : memref<64x1000xf32, #tpu.memory_space<vmem>> -> memref<32x1000xf32, #tpu.memory_space<vmem>>
        %dma_start3A_148 = arith.constant 0 : i32
        %dma_start3A_149 = tpu.memref_slice %arg2[%add3A_144, %dma_start3A_148] : memref<16384x1000xf32, #tpu.memory_space<hbm>> -> memref<32x1000xf32, #tpu.memory_space<hbm>>
        %dma_start3A_150 = arith.constant 0 : i32
        %dma_start3A_151 = arith.constant 0 : i32
        %dma_start3A_152 = tpu.memref_slice %arg8[%dma_start3A_150, %dma_start3A_151] : memref<64x1000xf32, #tpu.memory_space<vmem>> -> memref<32x1000xf32, #tpu.memory_space<vmem>>
        %dma_start3A_153 = arith.constant 0 : i32
        %dma_start3A_154 = tpu.memref_slice %arg2[%add3A_144, %dma_start3A_153] : memref<16384x1000xf32, #tpu.memory_space<hbm>> -> memref<32x1000xf32, #tpu.memory_space<hbm>>
        tpu.enqueue_dma source(%dma_start3A_154 : memref<32x1000xf32, #tpu.memory_space<hbm>>) target(%dma_start3A_152 : memref<32x1000xf32, #tpu.memory_space<vmem>>) target_semaphore(%arg15 : memref<!tpu.dma_semaphore, #tpu.memory_space<semaphore_mem>>)
        %dma_start3A_155 = arith.constant 0 : i32
        %dma_start3A_156 = arith.constant 0 : i32
        %dma_start3A_157 = tpu.memref_slice %arg9[%dma_start3A_155, %dma_start3A_156] : memref<64x50xi32, #tpu.memory_space<vmem>> -> memref<32x50xi32, #tpu.memory_space<vmem>>
        %dma_start3A_158 = arith.constant 0 : i32
        %dma_start3A_159 = tpu.memref_slice %arg3[%add3A_144, %dma_start3A_158] : memref<16384x50xi32, #tpu.memory_space<hbm>> -> memref<32x50xi32, #tpu.memory_space<hbm>>
        %dma_start3A_160 = arith.constant 0 : i32
        %dma_start3A_161 = arith.constant 0 : i32
        %dma_start3A_162 = tpu.memref_slice %arg9[%dma_start3A_160, %dma_start3A_161] : memref<64x50xi32, #tpu.memory_space<vmem>> -> memref<32x50xi32, #tpu.memory_space<vmem>>
        %dma_start3A_163 = arith.constant 0 : i32
        %dma_start3A_164 = tpu.memref_slice %arg3[%add3A_144, %dma_start3A_163] : memref<16384x50xi32, #tpu.memory_space<hbm>> -> memref<32x50xi32, #tpu.memory_space<hbm>>
        tpu.enqueue_dma source(%dma_start3A_164 : memref<32x50xi32, #tpu.memory_space<hbm>>) target(%dma_start3A_162 : memref<32x50xi32, #tpu.memory_space<vmem>>) target_semaphore(%arg15 : memref<!tpu.dma_semaphore, #tpu.memory_space<semaphore_mem>>)
      } else {
      }
      %add3A_101 = arith.constant 1 : i32
      %add3A_102 = arith.addi %mul3A_67, %add3A_101 : i32
      %dma_wait3A_103 = arith.constant 32 : i32
      %dma_wait3A_104 = arith.constant 0 : i32
      %dma_wait3A_105 = tpu.memref_slice %arg8[%dma_wait3A_103, %dma_wait3A_104] : memref<64x1000xf32, #tpu.memory_space<vmem>> -> memref<32x1000xf32, #tpu.memory_space<vmem>>
      %dma_wait3A_106 = arith.constant 0 : i32
      %dma_wait3A_107 = arith.constant 0 : i32
      %dma_wait3A_108 = tpu.memref_slice %arg2[%dma_wait3A_106, %dma_wait3A_107] : memref<16384x1000xf32, #tpu.memory_space<hbm>> -> memref<32x1000xf32, #tpu.memory_space<hbm>>
      %dma_wait3A_109 = arith.constant 32 : i32
      %dma_wait3A_110 = arith.constant 0 : i32
      %dma_wait3A_111 = tpu.memref_slice %arg8[%dma_wait3A_109, %dma_wait3A_110] : memref<64x1000xf32, #tpu.memory_space<vmem>> -> memref<32x1000xf32, #tpu.memory_space<vmem>>
      %dma_wait3A_112 = arith.constant 0 : i32
      %dma_wait3A_113 = arith.constant 0 : i32
      %dma_wait3A_114 = tpu.memref_slice %arg2[%dma_wait3A_112, %dma_wait3A_113] : memref<16384x1000xf32, #tpu.memory_space<hbm>> -> memref<32x1000xf32, #tpu.memory_space<hbm>>
      tpu.wait_dma2 semaphore(%arg16 : memref<!tpu.dma_semaphore, #tpu.memory_space<semaphore_mem>>) src(%dma_wait3A_114 : memref<32x1000xf32, #tpu.memory_space<hbm>>) dst(%dma_wait3A_111 : memref<32x1000xf32, #tpu.memory_space<vmem>>)
      %dma_wait3A_115 = arith.constant 32 : i32
      %dma_wait3A_116 = arith.constant 0 : i32
      %dma_wait3A_117 = tpu.memref_slice %arg9[%dma_wait3A_115, %dma_wait3A_116] : memref<64x50xi32, #tpu.memory_space<vmem>> -> memref<32x50xi32, #tpu.memory_space<vmem>>
      %dma_wait3A_118 = arith.constant 0 : i32
      %dma_wait3A_119 = arith.constant 0 : i32
      %dma_wait3A_120 = tpu.memref_slice %arg3[%dma_wait3A_118, %dma_wait3A_119] : memref<16384x50xi32, #tpu.memory_space<hbm>> -> memref<32x50xi32, #tpu.memory_space<hbm>>
      %dma_wait3A_121 = arith.constant 32 : i32
      %dma_wait3A_122 = arith.constant 0 : i32
      %dma_wait3A_123 = tpu.memref_slice %arg9[%dma_wait3A_121, %dma_wait3A_122] : memref<64x50xi32, #tpu.memory_space<vmem>> -> memref<32x50xi32, #tpu.memory_space<vmem>>
      %dma_wait3A_124 = arith.constant 0 : i32
      %dma_wait3A_125 = arith.constant 0 : i32
      %dma_wait3A_126 = tpu.memref_slice %arg3[%dma_wait3A_124, %dma_wait3A_125] : memref<16384x50xi32, #tpu.memory_space<hbm>> -> memref<32x50xi32, #tpu.memory_space<hbm>>
      tpu.wait_dma2 semaphore(%arg16 : memref<!tpu.dma_semaphore, #tpu.memory_space<semaphore_mem>>) src(%dma_wait3A_126 : memref<32x50xi32, #tpu.memory_space<hbm>>) dst(%dma_wait3A_123 : memref<32x50xi32, #tpu.memory_space<vmem>>)
      %scan3A_127 = arith.constant 0 : i32
      %scan3A_128 = arith.constant 32 : i32
      %scan3A_129 = arith.addi %scan3A_127, %scan3A_128 : i32
      %scan3A_130 = arith.constant 2 : i32
      %scan3A_131:4 = scf.for %scan3A_140 = %scan3A_127 to %scan3A_129 step %scan3A_130 iter_args(%scan3A_141 = %scan3A_95#0, %scan3A_142 = %scan3A_95#1, %scan3A_143 = %scan3A_95#2, %scan3A_144 = %scan3A_95#3) -> (vector<16xf32>, vector<16xf32>, vector<16xf32>, vector<16xf32>)  : i32 {
        %broadcast_in_dim3A_145 = arith.constant 0.000000e+00 : f32
        %broadcast_in_dim3A_146 = vector.broadcast %broadcast_in_dim3A_145 : f32 to vector<16xf32>
        %mul3A_147 = arith.constant 32 : i32
        %mul3A_148 = arith.muli %add3A_102, %mul3A_147 : i32
        %add3A_149 = arith.addi %mul3A_148, %scan3A_140 : i32
        %mul3A_150 = arith.constant 64 : i32
        %mul3A_151 = arith.muli %add3A_149, %mul3A_150 : i32
        %add3A_152 = arith.constant 32 : i32
        %add3A_153 = arith.addi %add3A_152, %scan3A_140 : i32
        %get3A = arith.index_cast %add3A_153 : i32 to index
        %get3A_154 = arith.constant 0 : index
        %get3A_155 = tpu.vector_load %arg9[%get3A, %get3A_154] {strides = array<i32>} : memref<64x50xi32, #tpu.memory_space<vmem>>, vector<16xi32>,
        %add3A_156 = arith.constant 0 : i32
        %add3A_157 = arith.addi %mul3A_151, %add3A_156 : i32
        %add3A_158 = vector.broadcast %add3A_157 : i32 to vector<16xi32>
        %add3A_159 = arith.addi %add3A_158, %iota3A : vector<16xi32>
        tpu.vector_store_idx %arg10[%get3A_155], %add3A_159 : memref<1008xi32, #tpu.memory_space<vmem>>[vector<16xi32>], vector<16xi32>,
        %add3A_160 = arith.constant 32 : i32
        %add3A_161 = arith.addi %add3A_160, %scan3A_140 : i32
        %get3A_162 = arith.index_cast %add3A_161 : i32 to index
        %get3A_163 = arith.constant 16 : index
        %get3A_164 = tpu.vector_load %arg9[%get3A_162, %get3A_163] {strides = array<i32>} : memref<64x50xi32, #tpu.memory_space<vmem>>, vector<16xi32>,
        %add3A_165 = arith.constant 16 : i32
        %add3A_166 = arith.addi %mul3A_151, %add3A_165 : i32
        %add3A_167 = vector.broadcast %add3A_166 : i32 to vector<16xi32>
        %add3A_168 = arith.addi %add3A_167, %iota3A : vector<16xi32>
        tpu.vector_store_idx %arg10[%get3A_164], %add3A_168 : memref<1008xi32, #tpu.memory_space<vmem>>[vector<16xi32>], vector<16xi32>,
        %add3A_169 = arith.constant 32 : i32
        %add3A_170 = arith.addi %add3A_169, %scan3A_140 : i32
        %get3A_171 = arith.index_cast %add3A_170 : i32 to index
        %get3A_172 = arith.constant 32 : index
        %get3A_173 = tpu.vector_load %arg9[%get3A_171, %get3A_172] {strides = array<i32>} : memref<64x50xi32, #tpu.memory_space<vmem>>, vector<16xi32>,
        %add3A_174 = arith.constant 32 : i32
        %add3A_175 = arith.addi %mul3A_151, %add3A_174 : i32
        %add3A_176 = vector.broadcast %add3A_175 : i32 to vector<16xi32>
        %add3A_177 = arith.addi %add3A_176, %iota3A : vector<16xi32>
        tpu.vector_store_idx %arg10[%get3A_173], %add3A_177 : memref<1008xi32, #tpu.memory_space<vmem>>[vector<16xi32>], vector<16xi32>,
        %add3A_178 = arith.constant 32 : i32
        %add3A_179 = arith.addi %add3A_178, %scan3A_140 : i32
        %get3A_180 = arith.index_cast %add3A_179 : i32 to index
        %get3A_181 = arith.constant 34 : index
        %get3A_182 = tpu.vector_load %arg9[%get3A_180, %get3A_181] {strides = array<i32>} : memref<64x50xi32, #tpu.memory_space<vmem>>, vector<16xi32>,
        %add3A_183 = arith.constant 48 : i32
        %add3A_184 = arith.addi %mul3A_151, %add3A_183 : i32
        %add3A_185 = vector.broadcast %add3A_184 : i32 to vector<16xi32>
        %add3A_186 = arith.addi %add3A_185, %iota3A : vector<16xi32>
        tpu.vector_store_idx %arg10[%get3A_182], %add3A_186 : memref<1008xi32, #tpu.memory_space<vmem>>[vector<16xi32>], vector<16xi32>,
        %broadcast_in_dim3A_187 = arith.constant 0 : i32
        %broadcast_in_dim3A_188 = vector.broadcast %broadcast_in_dim3A_187 : i32 to vector<16xi32>
        %add3A_189 = arith.constant 32 : i32
        %add3A_190 = arith.addi %add3A_189, %scan3A_140 : i32
        %broadcast_in_dim3A_191 = vector.broadcast %add3A_190 : i32 to vector<16xi32>
        %add3A_192 = arith.constant 32 : i32
        %add3A_193 = arith.addi %add3A_192, %scan3A_140 : i32
        %get3A_194 = arith.index_cast %add3A_193 : i32 to index
        %get3A_195 = arith.constant 0 : index
        %get3A_196 = tpu.vector_load %arg9[%get3A_194, %get3A_195] {strides = array<i32>} : memref<64x50xi32, #tpu.memory_space<vmem>>, vector<16xi32>,
        %gather3A = tpu.vector_load_idx %arg10[%get3A_196] : memref<1008xi32, #tpu.memory_space<vmem>>[vector<16xi32>], vector<16xi32>,
        %add3A_197 = arith.constant 0 : i32
        %add3A_198 = arith.addi %mul3A_151, %add3A_197 : i32
        %add3A_199 = vector.broadcast %add3A_198 : i32 to vector<16xi32>
        %add3A_200 = arith.addi %add3A_199, %iota3A : vector<16xi32>
        %eq3A = arith.cmpi eq, %gather3A, %add3A_200 : vector<16xi32>
        %jit3A = arith.constant 1.000000e+00 : f32
        %jit3A_201 = arith.constant 0.000000e+00 : f32
        %broadcast_in_dim3A_202 = vector.broadcast %jit3A : f32 to vector<16xf32>
        %broadcast_in_dim3A_203 = vector.broadcast %jit3A_201 : f32 to vector<16xf32>
        %select_n3A = arith.select %eq3A, %broadcast_in_dim3A_202, %broadcast_in_dim3A_203 : vector<16xi1>, vector<16xf32>
        %gather3A_204 = tpu.vector_load_idx %arg8[%broadcast_in_dim3A_191, %get3A_196] : memref<64x1000xf32, #tpu.memory_space<vmem>>[vector<16xi32>, vector<16xi32>], vector<16xf32>,
        %all_reduce_population_count3A = tpu.all_reduce %eq3A {dim = 0 : i64, kind = #tpu.reduction_kind<sum>} : vector<16xi1> -> vector<16xi32>
        %add3A_205 = arith.addi %broadcast_in_dim3A_188, %all_reduce_population_count3A : vector<16xi32>
        %mul3A_206 = arith.mulf %select_n3A, %gather3A_204 : vector<16xf32>
        %add3A_207 = arith.addf %broadcast_in_dim3A_146, %mul3A_206 : vector<16xf32>
        %neg3A = arith.constant 0.000000e+00 : f32
        %neg3A_208 = vector.broadcast %neg3A : f32 to vector<16xf32>
        %neg3A_209 = arith.subf %neg3A_208, %gather3A_204 : vector<16xf32>
        %exp3A = math.exp %neg3A_209 : vector<16xf32>
        %mul3A_210 = arith.mulf %select_n3A, %exp3A : vector<16xf32>
        %add3A_211 = arith.addf %broadcast_in_dim3A_146, %mul3A_210 : vector<16xf32>
        %exp3A_212 = math.exp %gather3A_204 : vector<16xf32>
        %mul3A_213 = arith.mulf %select_n3A, %exp3A_212 : vector<16xf32>
        %add3A_214 = arith.addf %broadcast_in_dim3A_146, %mul3A_213 : vector<16xf32>
        %add3A_215 = arith.constant 32 : i32
        %add3A_216 = arith.addi %add3A_215, %scan3A_140 : i32
        %get3A_217 = arith.index_cast %add3A_216 : i32 to index
        %get3A_218 = arith.constant 16 : index
        %get3A_219 = tpu.vector_load %arg9[%get3A_217, %get3A_218] {strides = array<i32>} : memref<64x50xi32, #tpu.memory_space<vmem>>, vector<16xi32>,
        %gather3A_220 = tpu.vector_load_idx %arg10[%get3A_219] : memref<1008xi32, #tpu.memory_space<vmem>>[vector<16xi32>], vector<16xi32>,
        %add3A_221 = arith.constant 16 : i32
        %add3A_222 = arith.addi %mul3A_151, %add3A_221 : i32
        %add3A_223 = vector.broadcast %add3A_222 : i32 to vector<16xi32>
        %add3A_224 = arith.addi %add3A_223, %iota3A : vector<16xi32>
        %eq3A_225 = arith.cmpi eq, %gather3A_220, %add3A_224 : vector<16xi32>
        %jit3A_226 = arith.constant 1.000000e+00 : f32
        %jit3A_227 = arith.constant 0.000000e+00 : f32
        %broadcast_in_dim3A_228 = vector.broadcast %jit3A_226 : f32 to vector<16xf32>
        %broadcast_in_dim3A_229 = vector.broadcast %jit3A_227 : f32 to vector<16xf32>
        %select_n3A_230 = arith.select %eq3A_225, %broadcast_in_dim3A_228, %broadcast_in_dim3A_229 : vector<16xi1>, vector<16xf32>
        %gather3A_231 = tpu.vector_load_idx %arg8[%broadcast_in_dim3A_191, %get3A_219] : memref<64x1000xf32, #tpu.memory_space<vmem>>[vector<16xi32>, vector<16xi32>], vector<16xf32>,
        %all_reduce_population_count3A_232 = tpu.all_reduce %eq3A_225 {dim = 0 : i64, kind = #tpu.reduction_kind<sum>} : vector<16xi1> -> vector<16xi32>
        %add3A_233 = arith.addi %add3A_205, %all_reduce_population_count3A_232 : vector<16xi32>
        %mul3A_234 = arith.mulf %select_n3A_230, %gather3A_231 : vector<16xf32>
        %add3A_235 = arith.addf %add3A_207, %mul3A_234 : vector<16xf32>
        %neg3A_236 = arith.constant 0.000000e+00 : f32
        %neg3A_237 = vector.broadcast %neg3A_236 : f32 to vector<16xf32>
        %neg3A_238 = arith.subf %neg3A_237, %gather3A_231 : vector<16xf32>
        %exp3A_239 = math.exp %neg3A_238 : vector<16xf32>
        %mul3A_240 = arith.mulf %select_n3A_230, %exp3A_239 : vector<16xf32>
        %add3A_241 = arith.addf %add3A_211, %mul3A_240 : vector<16xf32>
        %exp3A_242 = math.exp %gather3A_231 : vector<16xf32>
        %mul3A_243 = arith.mulf %select_n3A_230, %exp3A_242 : vector<16xf32>
        %add3A_244 = arith.addf %add3A_214, %mul3A_243 : vector<16xf32>
        %add3A_245 = arith.constant 32 : i32
        %add3A_246 = arith.addi %add3A_245, %scan3A_140 : i32
        %get3A_247 = arith.index_cast %add3A_246 : i32 to index
        %get3A_248 = arith.constant 32 : index
        %get3A_249 = tpu.vector_load %arg9[%get3A_247, %get3A_248] {strides = array<i32>} : memref<64x50xi32, #tpu.memory_space<vmem>>, vector<16xi32>,
        %gather3A_250 = tpu.vector_load_idx %arg10[%get3A_249] : memref<1008xi32, #tpu.memory_space<vmem>>[vector<16xi32>], vector<16xi32>,
        %add3A_251 = arith.constant 32 : i32
        %add3A_252 = arith.addi %mul3A_151, %add3A_251 : i32
        %add3A_253 = vector.broadcast %add3A_252 : i32 to vector<16xi32>
        %add3A_254 = arith.addi %add3A_253, %iota3A : vector<16xi32>
        %eq3A_255 = arith.cmpi eq, %gather3A_250, %add3A_254 : vector<16xi32>
        %jit3A_256 = arith.constant 1.000000e+00 : f32
        %jit3A_257 = arith.constant 0.000000e+00 : f32
        %broadcast_in_dim3A_258 = vector.broadcast %jit3A_256 : f32 to vector<16xf32>
        %broadcast_in_dim3A_259 = vector.broadcast %jit3A_257 : f32 to vector<16xf32>
        %select_n3A_260 = arith.select %eq3A_255, %broadcast_in_dim3A_258, %broadcast_in_dim3A_259 : vector<16xi1>, vector<16xf32>
        %gather3A_261 = tpu.vector_load_idx %arg8[%broadcast_in_dim3A_191, %get3A_249] : memref<64x1000xf32, #tpu.memory_space<vmem>>[vector<16xi32>, vector<16xi32>], vector<16xf32>,
        %all_reduce_population_count3A_262 = tpu.all_reduce %eq3A_255 {dim = 0 : i64, kind = #tpu.reduction_kind<sum>} : vector<16xi1> -> vector<16xi32>
        %add3A_263 = arith.addi %add3A_233, %all_reduce_population_count3A_262 : vector<16xi32>
        %mul3A_264 = arith.mulf %select_n3A_260, %gather3A_261 : vector<16xf32>
        %add3A_265 = arith.addf %add3A_235, %mul3A_264 : vector<16xf32>
        %neg3A_266 = arith.constant 0.000000e+00 : f32
        %neg3A_267 = vector.broadcast %neg3A_266 : f32 to vector<16xf32>
        %neg3A_268 = arith.subf %neg3A_267, %gather3A_261 : vector<16xf32>
        %exp3A_269 = math.exp %neg3A_268 : vector<16xf32>
        %mul3A_270 = arith.mulf %select_n3A_260, %exp3A_269 : vector<16xf32>
        %add3A_271 = arith.addf %add3A_241, %mul3A_270 : vector<16xf32>
        %exp3A_272 = math.exp %gather3A_261 : vector<16xf32>
        %mul3A_273 = arith.mulf %select_n3A_260, %exp3A_272 : vector<16xf32>
        %add3A_274 = arith.addf %add3A_244, %mul3A_273 : vector<16xf32>
        %add3A_275 = arith.constant 32 : i32
        %add3A_276 = arith.addi %add3A_275, %scan3A_140 : i32
        %get3A_277 = arith.index_cast %add3A_276 : i32 to index
        %get3A_278 = arith.constant 34 : index
        %get3A_279 = tpu.vector_load %arg9[%get3A_277, %get3A_278] {strides = array<i32>} : memref<64x50xi32, #tpu.memory_space<vmem>>, vector<16xi32>,
        %gather3A_280 = tpu.vector_load_idx %arg10[%get3A_279] : memref<1008xi32, #tpu.memory_space<vmem>>[vector<16xi32>], vector<16xi32>,
        %add3A_281 = arith.constant 48 : i32
        %add3A_282 = arith.addi %mul3A_151, %add3A_281 : i32
        %add3A_283 = vector.broadcast %add3A_282 : i32 to vector<16xi32>
        %add3A_284 = arith.addi %add3A_283, %iota3A : vector<16xi32>
        %eq3A_285 = arith.cmpi eq, %gather3A_280, %add3A_284 : vector<16xi32>
        %jit3A_286 = arith.constant 1.000000e+00 : f32
        %jit3A_287 = arith.constant 0.000000e+00 : f32
        %broadcast_in_dim3A_288 = vector.broadcast %jit3A_286 : f32 to vector<16xf32>
        %broadcast_in_dim3A_289 = vector.broadcast %jit3A_287 : f32 to vector<16xf32>
        %select_n3A_290 = arith.select %eq3A_285, %broadcast_in_dim3A_288, %broadcast_in_dim3A_289 : vector<16xi1>, vector<16xf32>
        %gather3A_291 = tpu.vector_load_idx %arg8[%broadcast_in_dim3A_191, %get3A_279] : memref<64x1000xf32, #tpu.memory_space<vmem>>[vector<16xi32>, vector<16xi32>], vector<16xf32>,
        %all_reduce_population_count3A_292 = tpu.all_reduce %eq3A_285 {dim = 0 : i64, kind = #tpu.reduction_kind<sum>} : vector<16xi1> -> vector<16xi32>
        %add3A_293 = arith.addi %add3A_263, %all_reduce_population_count3A_292 : vector<16xi32>
        %mul3A_294 = arith.mulf %select_n3A_290, %gather3A_291 : vector<16xf32>
        %add3A_295 = arith.addf %add3A_265, %mul3A_294 : vector<16xf32>
        %neg3A_296 = arith.constant 0.000000e+00 : f32
        %neg3A_297 = vector.broadcast %neg3A_296 : f32 to vector<16xf32>
        %neg3A_298 = arith.subf %neg3A_297, %gather3A_291 : vector<16xf32>
        %exp3A_299 = math.exp %neg3A_298 : vector<16xf32>
        %mul3A_300 = arith.mulf %select_n3A_290, %exp3A_299 : vector<16xf32>
        %add3A_301 = arith.addf %add3A_271, %mul3A_300 : vector<16xf32>
        %exp3A_302 = math.exp %gather3A_291 : vector<16xf32>
        %mul3A_303 = arith.mulf %select_n3A_290, %exp3A_302 : vector<16xf32>
        %add3A_304 = arith.addf %add3A_274, %mul3A_303 : vector<16xf32>
        %jit3A_305 = arith.constant 16 : i32
        %eq3A_306 = arith.constant 0 : i32
        %eq3A_307 = arith.cmpi eq, %jit3A_305, %eq3A_306 : i32
        %jit3A_308 = arith.constant 1 : i32
        %select_n3A_309 = arith.select %eq3A_307, %jit3A_308, %jit3A_305 : i32
        %rem3A = arith.remsi %scan3A_140, %select_n3A_309 : i32
        %ne3A = arith.constant 0 : i32
        %ne3A_310 = arith.cmpi ne, %rem3A, %ne3A : i32
        %lt3A_311 = arith.constant 0 : i32
        %lt3A_312 = arith.cmpi slt, %rem3A, %lt3A_311 : i32
        %lt3A_313 = arith.constant 0 : i32
        %lt3A_314 = arith.cmpi slt, %select_n3A_309, %lt3A_313 : i32
        %ne3A_315 = arith.xori %lt3A_312, %lt3A_314 : i1
        %and3A = arith.andi %ne3A_315, %ne3A_310 : i1
        %add3A_316 = arith.addi %rem3A, %select_n3A_309 : i32
        %select_n3A_317 = arith.select %and3A, %add3A_316, %rem3A : i32
        %eq3A_318 = vector.broadcast %select_n3A_317 : i32 to vector<16xi32>
        %eq3A_319 = arith.cmpi eq, %iota3A, %eq3A_318 : vector<16xi32>
        %reduce_sum3A = arith.constant true
        %reduce_sum3A_320 = vector.broadcast %reduce_sum3A : i1 to vector<16xi1>
        %reduce_sum3A_321 = tpu.scan <sum>, %add3A_295 masked %reduce_sum3A_320 : vector<16xf32>, vector<16xi1> -> vector<16xf32>
        %reduce_sum3A_322 = vector.extract %reduce_sum3A_321[15] : f32 from vector<16xf32>
        %broadcast_in_dim3A_323 = vector.broadcast %reduce_sum3A_322 : f32 to vector<16xf32>
        %select_n3A_324 = arith.select %eq3A_319, %broadcast_in_dim3A_323, %scan3A_141 : vector<16xi1>, vector<16xf32>
        %reduce_sum3A_325 = arith.constant true
        %reduce_sum3A_326 = vector.broadcast %reduce_sum3A_325 : i1 to vector<16xi1>
        %reduce_sum3A_327 = tpu.scan <sum>, %add3A_301 masked %reduce_sum3A_326 : vector<16xf32>, vector<16xi1> -> vector<16xf32>
        %reduce_sum3A_328 = vector.extract %reduce_sum3A_327[15] : f32 from vector<16xf32>
        %broadcast_in_dim3A_329 = vector.broadcast %reduce_sum3A_328 : f32 to vector<16xf32>
        %select_n3A_330 = arith.select %eq3A_319, %broadcast_in_dim3A_329, %scan3A_142 : vector<16xi1>, vector<16xf32>
        %reduce_sum3A_331 = arith.constant true
        %reduce_sum3A_332 = vector.broadcast %reduce_sum3A_331 : i1 to vector<16xi1>
        %reduce_sum3A_333 = tpu.scan <sum>, %add3A_304 masked %reduce_sum3A_332 : vector<16xf32>, vector<16xi1> -> vector<16xf32>
        %reduce_sum3A_334 = vector.extract %reduce_sum3A_333[15] : f32 from vector<16xf32>
        %broadcast_in_dim3A_335 = vector.broadcast %reduce_sum3A_334 : f32 to vector<16xf32>
        %select_n3A_336 = arith.select %eq3A_319, %broadcast_in_dim3A_335, %scan3A_143 : vector<16xi1>, vector<16xf32>
        %convert_element_type3A_337 = arith.sitofp %add3A_293 : vector<16xi32> to vector<16xf32>
        %select_n3A_338 = arith.select %eq3A_319, %convert_element_type3A_337, %scan3A_144 : vector<16xi1>, vector<16xf32>
        %jit3A_339 = arith.constant 16 : i32
        %eq3A_340 = arith.constant 0 : i32
        %eq3A_341 = arith.cmpi eq, %jit3A_339, %eq3A_340 : i32
        %jit3A_342 = arith.constant 1 : i32
        %select_n3A_343 = arith.select %eq3A_341, %jit3A_342, %jit3A_339 : i32
        %rem3A_344 = arith.remsi %scan3A_140, %select_n3A_343 : i32
        %ne3A_345 = arith.constant 0 : i32
        %ne3A_346 = arith.cmpi ne, %rem3A_344, %ne3A_345 : i32
        %lt3A_347 = arith.constant 0 : i32
        %lt3A_348 = arith.cmpi slt, %rem3A_344, %lt3A_347 : i32
        %lt3A_349 = arith.constant 0 : i32
        %lt3A_350 = arith.cmpi slt, %select_n3A_343, %lt3A_349 : i32
        %ne3A_351 = arith.xori %lt3A_348, %lt3A_350 : i1
        %and3A_352 = arith.andi %ne3A_351, %ne3A_346 : i1
        %add3A_353 = arith.addi %rem3A_344, %select_n3A_343 : i32
        %select_n3A_354 = arith.select %and3A_352, %add3A_353, %rem3A_344 : i32
        %eq3A_355 = arith.constant 15 : i32
        %eq3A_356 = arith.cmpi eq, %select_n3A_354, %eq3A_355 : i32
        %convert_element_type3A_357 = arith.extui %eq3A_356 : i1 to i32
        %cond3A_358 = arith.constant 0 : i32
        %cond3A_359 = arith.cmpi ne, %convert_element_type3A_357, %cond3A_358 : i32
        scf.if %cond3A_359 {
          %mul3A_589 = arith.constant 32 : i32
          %mul3A_590 = arith.muli %add3A_102, %mul3A_589 : i32
          %add3A_591 = arith.addi %mul3A_590, %scan3A_140 : i32
          %sub3A = arith.constant 15 : i32
          %sub3A_592 = arith.subi %add3A_591, %sub3A : i32
          %swap3A = arith.index_cast %sub3A_592 : i32 to index
          %swap3A_593 = tpu.vector_load %arg11[%swap3A] {strides = array<i32>} : memref<512xf32, #tpu.memory_space<vmem>>, vector<16xf32>,
          tpu.vector_store %arg11[%swap3A], %select_n3A_324 {strides = array<i32>} : memref<512xf32, #tpu.memory_space<vmem>>, vector<16xf32>,
          %swap3A_594 = arith.index_cast %sub3A_592 : i32 to index
          %swap3A_595 = tpu.vector_load %arg12[%swap3A_594] {strides = array<i32>} : memref<512xf32, #tpu.memory_space<vmem>>, vector<16xf32>,
          tpu.vector_store %arg12[%swap3A_594], %select_n3A_330 {strides = array<i32>} : memref<512xf32, #tpu.memory_space<vmem>>, vector<16xf32>,
          %swap3A_596 = arith.index_cast %sub3A_592 : i32 to index
          %swap3A_597 = tpu.vector_load %arg13[%swap3A_596] {strides = array<i32>} : memref<512xf32, #tpu.memory_space<vmem>>, vector<16xf32>,
          tpu.vector_store %arg13[%swap3A_596], %select_n3A_336 {strides = array<i32>} : memref<512xf32, #tpu.memory_space<vmem>>, vector<16xf32>,
          %swap3A_598 = arith.index_cast %sub3A_592 : i32 to index
          %swap3A_599 = tpu.vector_load %arg14[%swap3A_598] {strides = array<i32>} : memref<512xf32, #tpu.memory_space<vmem>>, vector<16xf32>,
          tpu.vector_store %arg14[%swap3A_598], %select_n3A_338 {strides = array<i32>} : memref<512xf32, #tpu.memory_space<vmem>>, vector<16xf32>,
        } else {
        }
        %scan3A_360 = arith.constant 1 : i32
        %scan3A_361 = arith.addi %scan3A_140, %scan3A_360 : i32
        %broadcast_in_dim3A_362 = arith.constant 0.000000e+00 : f32
        %broadcast_in_dim3A_363 = vector.broadcast %broadcast_in_dim3A_362 : f32 to vector<16xf32>
        %mul3A_364 = arith.constant 32 : i32
        %mul3A_365 = arith.muli %add3A_102, %mul3A_364 : i32
        %add3A_366 = arith.addi %mul3A_365, %scan3A_361 : i32
        %mul3A_367 = arith.constant 64 : i32
        %mul3A_368 = arith.muli %add3A_366, %mul3A_367 : i32
        %add3A_369 = arith.constant 32 : i32
        %add3A_370 = arith.addi %add3A_369, %scan3A_361 : i32
        %get3A_371 = arith.index_cast %add3A_370 : i32 to index
        %get3A_372 = arith.constant 0 : index
        %get3A_373 = tpu.vector_load %arg9[%get3A_371, %get3A_372] {strides = array<i32>} : memref<64x50xi32, #tpu.memory_space<vmem>>, vector<16xi32>,
        %add3A_374 = arith.constant 0 : i32
        %add3A_375 = arith.addi %mul3A_368, %add3A_374 : i32
        %add3A_376 = vector.broadcast %add3A_375 : i32 to vector<16xi32>
        %add3A_377 = arith.addi %add3A_376, %iota3A : vector<16xi32>
        tpu.vector_store_idx %arg10[%get3A_373], %add3A_377 : memref<1008xi32, #tpu.memory_space<vmem>>[vector<16xi32>], vector<16xi32>,
        %add3A_378 = arith.constant 32 : i32
        %add3A_379 = arith.addi %add3A_378, %scan3A_361 : i32
        %get3A_380 = arith.index_cast %add3A_379 : i32 to index
        %get3A_381 = arith.constant 16 : index
        %get3A_382 = tpu.vector_load %arg9[%get3A_380, %get3A_381] {strides = array<i32>} : memref<64x50xi32, #tpu.memory_space<vmem>>, vector<16xi32>,
        %add3A_383 = arith.constant 16 : i32
        %add3A_384 = arith.addi %mul3A_368, %add3A_383 : i32
        %add3A_385 = vector.broadcast %add3A_384 : i32 to vector<16xi32>
        %add3A_386 = arith.addi %add3A_385, %iota3A : vector<16xi32>
        tpu.vector_store_idx %arg10[%get3A_382], %add3A_386 : memref<1008xi32, #tpu.memory_space<vmem>>[vector<16xi32>], vector<16xi32>,
        %add3A_387 = arith.constant 32 : i32
        %add3A_388 = arith.addi %add3A_387, %scan3A_361 : i32
        %get3A_389 = arith.index_cast %add3A_388 : i32 to index
        %get3A_390 = arith.constant 32 : index
        %get3A_391 = tpu.vector_load %arg9[%get3A_389, %get3A_390] {strides = array<i32>} : memref<64x50xi32, #tpu.memory_space<vmem>>, vector<16xi32>,
        %add3A_392 = arith.constant 32 : i32
        %add3A_393 = arith.addi %mul3A_368, %add3A_392 : i32
        %add3A_394 = vector.broadcast %add3A_393 : i32 to vector<16xi32>
        %add3A_395 = arith.addi %add3A_394, %iota3A : vector<16xi32>
        tpu.vector_store_idx %arg10[%get3A_391], %add3A_395 : memref<1008xi32, #tpu.memory_space<vmem>>[vector<16xi32>], vector<16xi32>,
        %add3A_396 = arith.constant 32 : i32
        %add3A_397 = arith.addi %add3A_396, %scan3A_361 : i32
        %get3A_398 = arith.index_cast %add3A_397 : i32 to index
        %get3A_399 = arith.constant 34 : index
        %get3A_400 = tpu.vector_load %arg9[%get3A_398, %get3A_399] {strides = array<i32>} : memref<64x50xi32, #tpu.memory_space<vmem>>, vector<16xi32>,
        %add3A_401 = arith.constant 48 : i32
        %add3A_402 = arith.addi %mul3A_368, %add3A_401 : i32
        %add3A_403 = vector.broadcast %add3A_402 : i32 to vector<16xi32>
        %add3A_404 = arith.addi %add3A_403, %iota3A : vector<16xi32>
        tpu.vector_store_idx %arg10[%get3A_400], %add3A_404 : memref<1008xi32, #tpu.memory_space<vmem>>[vector<16xi32>], vector<16xi32>,
        %broadcast_in_dim3A_405 = arith.constant 0 : i32
        %broadcast_in_dim3A_406 = vector.broadcast %broadcast_in_dim3A_405 : i32 to vector<16xi32>
        %add3A_407 = arith.constant 32 : i32
        %add3A_408 = arith.addi %add3A_407, %scan3A_361 : i32
        %broadcast_in_dim3A_409 = vector.broadcast %add3A_408 : i32 to vector<16xi32>
        %add3A_410 = arith.constant 32 : i32
        %add3A_411 = arith.addi %add3A_410, %scan3A_361 : i32
        %get3A_412 = arith.index_cast %add3A_411 : i32 to index
        %get3A_413 = arith.constant 0 : index
        %get3A_414 = tpu.vector_load %arg9[%get3A_412, %get3A_413] {strides = array<i32>} : memref<64x50xi32, #tpu.memory_space<vmem>>, vector<16xi32>,
        %gather3A_415 = tpu.vector_load_idx %arg10[%get3A_414] : memref<1008xi32, #tpu.memory_space<vmem>>[vector<16xi32>], vector<16xi32>,
        %add3A_416 = arith.constant 0 : i32
        %add3A_417 = arith.addi %mul3A_368, %add3A_416 : i32
        %add3A_418 = vector.broadcast %add3A_417 : i32 to vector<16xi32>
        %add3A_419 = arith.addi %add3A_418, %iota3A : vector<16xi32>
        %eq3A_420 = arith.cmpi eq, %gather3A_415, %add3A_419 : vector<16xi32>
        %jit3A_421 = arith.constant 1.000000e+00 : f32
        %jit3A_422 = arith.constant 0.000000e+00 : f32
        %broadcast_in_dim3A_423 = vector.broadcast %jit3A_421 : f32 to vector<16xf32>
        %broadcast_in_dim3A_424 = vector.broadcast %jit3A_422 : f32 to vector<16xf32>
        %select_n3A_425 = arith.select %eq3A_420, %broadcast_in_dim3A_423, %broadcast_in_dim3A_424 : vector<16xi1>, vector<16xf32>
        %gather3A_426 = tpu.vector_load_idx %arg8[%broadcast_in_dim3A_409, %get3A_414] : memref<64x1000xf32, #tpu.memory_space<vmem>>[vector<16xi32>, vector<16xi32>], vector<16xf32>,
        %all_reduce_population_count3A_427 = tpu.all_reduce %eq3A_420 {dim = 0 : i64, kind = #tpu.reduction_kind<sum>} : vector<16xi1> -> vector<16xi32>
        %add3A_428 = arith.addi %broadcast_in_dim3A_406, %all_reduce_population_count3A_427 : vector<16xi32>
        %mul3A_429 = arith.mulf %select_n3A_425, %gather3A_426 : vector<16xf32>
        %add3A_430 = arith.addf %broadcast_in_dim3A_363, %mul3A_429 : vector<16xf32>
        %neg3A_431 = arith.constant 0.000000e+00 : f32
        %neg3A_432 = vector.broadcast %neg3A_431 : f32 to vector<16xf32>
        %neg3A_433 = arith.subf %neg3A_432, %gather3A_426 : vector<16xf32>
        %exp3A_434 = math.exp %neg3A_433 : vector<16xf32>
        %mul3A_435 = arith.mulf %select_n3A_425, %exp3A_434 : vector<16xf32>
        %add3A_436 = arith.addf %broadcast_in_dim3A_363, %mul3A_435 : vector<16xf32>
        %exp3A_437 = math.exp %gather3A_426 : vector<16xf32>
        %mul3A_438 = arith.mulf %select_n3A_425, %exp3A_437 : vector<16xf32>
        %add3A_439 = arith.addf %broadcast_in_dim3A_363, %mul3A_438 : vector<16xf32>
        %add3A_440 = arith.constant 32 : i32
        %add3A_441 = arith.addi %add3A_440, %scan3A_361 : i32
        %get3A_442 = arith.index_cast %add3A_441 : i32 to index
        %get3A_443 = arith.constant 16 : index
        %get3A_444 = tpu.vector_load %arg9[%get3A_442, %get3A_443] {strides = array<i32>} : memref<64x50xi32, #tpu.memory_space<vmem>>, vector<16xi32>,
        %gather3A_445 = tpu.vector_load_idx %arg10[%get3A_444] : memref<1008xi32, #tpu.memory_space<vmem>>[vector<16xi32>], vector<16xi32>,
        %add3A_446 = arith.constant 16 : i32
        %add3A_447 = arith.addi %mul3A_368, %add3A_446 : i32
        %add3A_448 = vector.broadcast %add3A_447 : i32 to vector<16xi32>
        %add3A_449 = arith.addi %add3A_448, %iota3A : vector<16xi32>
        %eq3A_450 = arith.cmpi eq, %gather3A_445, %add3A_449 : vector<16xi32>
        %jit3A_451 = arith.constant 1.000000e+00 : f32
        %jit3A_452 = arith.constant 0.000000e+00 : f32
        %broadcast_in_dim3A_453 = vector.broadcast %jit3A_451 : f32 to vector<16xf32>
        %broadcast_in_dim3A_454 = vector.broadcast %jit3A_452 : f32 to vector<16xf32>
        %select_n3A_455 = arith.select %eq3A_450, %broadcast_in_dim3A_453, %broadcast_in_dim3A_454 : vector<16xi1>, vector<16xf32>
        %gather3A_456 = tpu.vector_load_idx %arg8[%broadcast_in_dim3A_409, %get3A_444] : memref<64x1000xf32, #tpu.memory_space<vmem>>[vector<16xi32>, vector<16xi32>], vector<16xf32>,
        %all_reduce_population_count3A_457 = tpu.all_reduce %eq3A_450 {dim = 0 : i64, kind = #tpu.reduction_kind<sum>} : vector<16xi1> -> vector<16xi32>
        %add3A_458 = arith.addi %add3A_428, %all_reduce_population_count3A_457 : vector<16xi32>
        %mul3A_459 = arith.mulf %select_n3A_455, %gather3A_456 : vector<16xf32>
        %add3A_460 = arith.addf %add3A_430, %mul3A_459 : vector<16xf32>
        %neg3A_461 = arith.constant 0.000000e+00 : f32
        %neg3A_462 = vector.broadcast %neg3A_461 : f32 to vector<16xf32>
        %neg3A_463 = arith.subf %neg3A_462, %gather3A_456 : vector<16xf32>
        %exp3A_464 = math.exp %neg3A_463 : vector<16xf32>
        %mul3A_465 = arith.mulf %select_n3A_455, %exp3A_464 : vector<16xf32>
        %add3A_466 = arith.addf %add3A_436, %mul3A_465 : vector<16xf32>
        %exp3A_467 = math.exp %gather3A_456 : vector<16xf32>
        %mul3A_468 = arith.mulf %select_n3A_455, %exp3A_467 : vector<16xf32>
        %add3A_469 = arith.addf %add3A_439, %mul3A_468 : vector<16xf32>
        %add3A_470 = arith.constant 32 : i32
        %add3A_471 = arith.addi %add3A_470, %scan3A_361 : i32
        %get3A_472 = arith.index_cast %add3A_471 : i32 to index
        %get3A_473 = arith.constant 32 : index
        %get3A_474 = tpu.vector_load %arg9[%get3A_472, %get3A_473] {strides = array<i32>} : memref<64x50xi32, #tpu.memory_space<vmem>>, vector<16xi32>,
        %gather3A_475 = tpu.vector_load_idx %arg10[%get3A_474] : memref<1008xi32, #tpu.memory_space<vmem>>[vector<16xi32>], vector<16xi32>,
        %add3A_476 = arith.constant 32 : i32
        %add3A_477 = arith.addi %mul3A_368, %add3A_476 : i32
        %add3A_478 = vector.broadcast %add3A_477 : i32 to vector<16xi32>
        %add3A_479 = arith.addi %add3A_478, %iota3A : vector<16xi32>
        %eq3A_480 = arith.cmpi eq, %gather3A_475, %add3A_479 : vector<16xi32>
        %jit3A_481 = arith.constant 1.000000e+00 : f32
        %jit3A_482 = arith.constant 0.000000e+00 : f32
        %broadcast_in_dim3A_483 = vector.broadcast %jit3A_481 : f32 to vector<16xf32>
        %broadcast_in_dim3A_484 = vector.broadcast %jit3A_482 : f32 to vector<16xf32>
        %select_n3A_485 = arith.select %eq3A_480, %broadcast_in_dim3A_483, %broadcast_in_dim3A_484 : vector<16xi1>, vector<16xf32>
        %gather3A_486 = tpu.vector_load_idx %arg8[%broadcast_in_dim3A_409, %get3A_474] : memref<64x1000xf32, #tpu.memory_space<vmem>>[vector<16xi32>, vector<16xi32>], vector<16xf32>,
        %all_reduce_population_count3A_487 = tpu.all_reduce %eq3A_480 {dim = 0 : i64, kind = #tpu.reduction_kind<sum>} : vector<16xi1> -> vector<16xi32>
        %add3A_488 = arith.addi %add3A_458, %all_reduce_population_count3A_487 : vector<16xi32>
        %mul3A_489 = arith.mulf %select_n3A_485, %gather3A_486 : vector<16xf32>
        %add3A_490 = arith.addf %add3A_460, %mul3A_489 : vector<16xf32>
        %neg3A_491 = arith.constant 0.000000e+00 : f32
        %neg3A_492 = vector.broadcast %neg3A_491 : f32 to vector<16xf32>
        %neg3A_493 = arith.subf %neg3A_492, %gather3A_486 : vector<16xf32>
        %exp3A_494 = math.exp %neg3A_493 : vector<16xf32>
        %mul3A_495 = arith.mulf %select_n3A_485, %exp3A_494 : vector<16xf32>
        %add3A_496 = arith.addf %add3A_466, %mul3A_495 : vector<16xf32>
        %exp3A_497 = math.exp %gather3A_486 : vector<16xf32>
        %mul3A_498 = arith.mulf %select_n3A_485, %exp3A_497 : vector<16xf32>
        %add3A_499 = arith.addf %add3A_469, %mul3A_498 : vector<16xf32>
        %add3A_500 = arith.constant 32 : i32
        %add3A_501 = arith.addi %add3A_500, %scan3A_361 : i32
        %get3A_502 = arith.index_cast %add3A_501 : i32 to index
        %get3A_503 = arith.constant 34 : index
        %get3A_504 = tpu.vector_load %arg9[%get3A_502, %get3A_503] {strides = array<i32>} : memref<64x50xi32, #tpu.memory_space<vmem>>, vector<16xi32>,
        %gather3A_505 = tpu.vector_load_idx %arg10[%get3A_504] : memref<1008xi32, #tpu.memory_space<vmem>>[vector<16xi32>], vector<16xi32>,
        %add3A_506 = arith.constant 48 : i32
        %add3A_507 = arith.addi %mul3A_368, %add3A_506 : i32
        %add3A_508 = vector.broadcast %add3A_507 : i32 to vector<16xi32>
        %add3A_509 = arith.addi %add3A_508, %iota3A : vector<16xi32>
        %eq3A_510 = arith.cmpi eq, %gather3A_505, %add3A_509 : vector<16xi32>
        %jit3A_511 = arith.constant 1.000000e+00 : f32
        %jit3A_512 = arith.constant 0.000000e+00 : f32
        %broadcast_in_dim3A_513 = vector.broadcast %jit3A_511 : f32 to vector<16xf32>
        %broadcast_in_dim3A_514 = vector.broadcast %jit3A_512 : f32 to vector<16xf32>
        %select_n3A_515 = arith.select %eq3A_510, %broadcast_in_dim3A_513, %broadcast_in_dim3A_514 : vector<16xi1>, vector<16xf32>
        %gather3A_516 = tpu.vector_load_idx %arg8[%broadcast_in_dim3A_409, %get3A_504] : memref<64x1000xf32, #tpu.memory_space<vmem>>[vector<16xi32>, vector<16xi32>], vector<16xf32>,
        %all_reduce_population_count3A_517 = tpu.all_reduce %eq3A_510 {dim = 0 : i64, kind = #tpu.reduction_kind<sum>} : vector<16xi1> -> vector<16xi32>
        %add3A_518 = arith.addi %add3A_488, %all_reduce_population_count3A_517 : vector<16xi32>
        %mul3A_519 = arith.mulf %select_n3A_515, %gather3A_516 : vector<16xf32>
        %add3A_520 = arith.addf %add3A_490, %mul3A_519 : vector<16xf32>
        %neg3A_521 = arith.constant 0.000000e+00 : f32
        %neg3A_522 = vector.broadcast %neg3A_521 : f32 to vector<16xf32>
        %neg3A_523 = arith.subf %neg3A_522, %gather3A_516 : vector<16xf32>
        %exp3A_524 = math.exp %neg3A_523 : vector<16xf32>
        %mul3A_525 = arith.mulf %select_n3A_515, %exp3A_524 : vector<16xf32>
        %add3A_526 = arith.addf %add3A_496, %mul3A_525 : vector<16xf32>
        %exp3A_527 = math.exp %gather3A_516 : vector<16xf32>
        %mul3A_528 = arith.mulf %select_n3A_515, %exp3A_527 : vector<16xf32>
        %add3A_529 = arith.addf %add3A_499, %mul3A_528 : vector<16xf32>
        %jit3A_530 = arith.constant 16 : i32
        %eq3A_531 = arith.constant 0 : i32
        %eq3A_532 = arith.cmpi eq, %jit3A_530, %eq3A_531 : i32
        %jit3A_533 = arith.constant 1 : i32
        %select_n3A_534 = arith.select %eq3A_532, %jit3A_533, %jit3A_530 : i32
        %rem3A_535 = arith.remsi %scan3A_361, %select_n3A_534 : i32
        %ne3A_536 = arith.constant 0 : i32
        %ne3A_537 = arith.cmpi ne, %rem3A_535, %ne3A_536 : i32
        %lt3A_538 = arith.constant 0 : i32
        %lt3A_539 = arith.cmpi slt, %rem3A_535, %lt3A_538 : i32
        %lt3A_540 = arith.constant 0 : i32
        %lt3A_541 = arith.cmpi slt, %select_n3A_534, %lt3A_540 : i32
        %ne3A_542 = arith.xori %lt3A_539, %lt3A_541 : i1
        %and3A_543 = arith.andi %ne3A_542, %ne3A_537 : i1
        %add3A_544 = arith.addi %rem3A_535, %select_n3A_534 : i32
        %select_n3A_545 = arith.select %and3A_543, %add3A_544, %rem3A_535 : i32
        %eq3A_546 = vector.broadcast %select_n3A_545 : i32 to vector<16xi32>
        %eq3A_547 = arith.cmpi eq, %iota3A, %eq3A_546 : vector<16xi32>
        %reduce_sum3A_548 = arith.constant true
        %reduce_sum3A_549 = vector.broadcast %reduce_sum3A_548 : i1 to vector<16xi1>
        %reduce_sum3A_550 = tpu.scan <sum>, %add3A_520 masked %reduce_sum3A_549 : vector<16xf32>, vector<16xi1> -> vector<16xf32>
        %reduce_sum3A_551 = vector.extract %reduce_sum3A_550[15] : f32 from vector<16xf32>
        %broadcast_in_dim3A_552 = vector.broadcast %reduce_sum3A_551 : f32 to vector<16xf32>
        %select_n3A_553 = arith.select %eq3A_547, %broadcast_in_dim3A_552, %select_n3A_324 : vector<16xi1>, vector<16xf32>
        %reduce_sum3A_554 = arith.constant true
        %reduce_sum3A_555 = vector.broadcast %reduce_sum3A_554 : i1 to vector<16xi1>
        %reduce_sum3A_556 = tpu.scan <sum>, %add3A_526 masked %reduce_sum3A_555 : vector<16xf32>, vector<16xi1> -> vector<16xf32>
        %reduce_sum3A_557 = vector.extract %reduce_sum3A_556[15] : f32 from vector<16xf32>
        %broadcast_in_dim3A_558 = vector.broadcast %reduce_sum3A_557 : f32 to vector<16xf32>
        %select_n3A_559 = arith.select %eq3A_547, %broadcast_in_dim3A_558, %select_n3A_330 : vector<16xi1>, vector<16xf32>
        %reduce_sum3A_560 = arith.constant true
        %reduce_sum3A_561 = vector.broadcast %reduce_sum3A_560 : i1 to vector<16xi1>
        %reduce_sum3A_562 = tpu.scan <sum>, %add3A_529 masked %reduce_sum3A_561 : vector<16xf32>, vector<16xi1> -> vector<16xf32>
        %reduce_sum3A_563 = vector.extract %reduce_sum3A_562[15] : f32 from vector<16xf32>
        %broadcast_in_dim3A_564 = vector.broadcast %reduce_sum3A_563 : f32 to vector<16xf32>
        %select_n3A_565 = arith.select %eq3A_547, %broadcast_in_dim3A_564, %select_n3A_336 : vector<16xi1>, vector<16xf32>
        %convert_element_type3A_566 = arith.sitofp %add3A_518 : vector<16xi32> to vector<16xf32>
        %select_n3A_567 = arith.select %eq3A_547, %convert_element_type3A_566, %select_n3A_338 : vector<16xi1>, vector<16xf32>
        %jit3A_568 = arith.constant 16 : i32
        %eq3A_569 = arith.constant 0 : i32
        %eq3A_570 = arith.cmpi eq, %jit3A_568, %eq3A_569 : i32
        %jit3A_571 = arith.constant 1 : i32
        %select_n3A_572 = arith.select %eq3A_570, %jit3A_571, %jit3A_568 : i32
        %rem3A_573 = arith.remsi %scan3A_361, %select_n3A_572 : i32
        %ne3A_574 = arith.constant 0 : i32
        %ne3A_575 = arith.cmpi ne, %rem3A_573, %ne3A_574 : i32
        %lt3A_576 = arith.constant 0 : i32
        %lt3A_577 = arith.cmpi slt, %rem3A_573, %lt3A_576 : i32
        %lt3A_578 = arith.constant 0 : i32
        %lt3A_579 = arith.cmpi slt, %select_n3A_572, %lt3A_578 : i32
        %ne3A_580 = arith.xori %lt3A_577, %lt3A_579 : i1
        %and3A_581 = arith.andi %ne3A_580, %ne3A_575 : i1
        %add3A_582 = arith.addi %rem3A_573, %select_n3A_572 : i32
        %select_n3A_583 = arith.select %and3A_581, %add3A_582, %rem3A_573 : i32
        %eq3A_584 = arith.constant 15 : i32
        %eq3A_585 = arith.cmpi eq, %select_n3A_583, %eq3A_584 : i32
        %convert_element_type3A_586 = arith.extui %eq3A_585 : i1 to i32
        %cond3A_587 = arith.constant 0 : i32
        %cond3A_588 = arith.cmpi ne, %convert_element_type3A_586, %cond3A_587 : i32
        scf.if %cond3A_588 {
          %mul3A_589 = arith.constant 32 : i32
          %mul3A_590 = arith.muli %add3A_102, %mul3A_589 : i32
          %add3A_591 = arith.addi %mul3A_590, %scan3A_361 : i32
          %sub3A = arith.constant 15 : i32
          %sub3A_592 = arith.subi %add3A_591, %sub3A : i32
          %swap3A = arith.index_cast %sub3A_592 : i32 to index
          %swap3A_593 = tpu.vector_load %arg11[%swap3A] {strides = array<i32>} : memref<512xf32, #tpu.memory_space<vmem>>, vector<16xf32>,
          tpu.vector_store %arg11[%swap3A], %select_n3A_553 {strides = array<i32>} : memref<512xf32, #tpu.memory_space<vmem>>, vector<16xf32>,
          %swap3A_594 = arith.index_cast %sub3A_592 : i32 to index
          %swap3A_595 = tpu.vector_load %arg12[%swap3A_594] {strides = array<i32>} : memref<512xf32, #tpu.memory_space<vmem>>, vector<16xf32>,
          tpu.vector_store %arg12[%swap3A_594], %select_n3A_559 {strides = array<i32>} : memref<512xf32, #tpu.memory_space<vmem>>, vector<16xf32>,
          %swap3A_596 = arith.index_cast %sub3A_592 : i32 to index
          %swap3A_597 = tpu.vector_load %arg13[%swap3A_596] {strides = array<i32>} : memref<512xf32, #tpu.memory_space<vmem>>, vector<16xf32>,
          tpu.vector_store %arg13[%swap3A_596], %select_n3A_565 {strides = array<i32>} : memref<512xf32, #tpu.memory_space<vmem>>, vector<16xf32>,
          %swap3A_598 = arith.index_cast %sub3A_592 : i32 to index
          %swap3A_599 = tpu.vector_load %arg14[%swap3A_598] {strides = array<i32>} : memref<512xf32, #tpu.memory_space<vmem>>, vector<16xf32>,
          tpu.vector_store %arg14[%swap3A_598], %select_n3A_567 {strides = array<i32>} : memref<512xf32, #tpu.memory_space<vmem>>, vector<16xf32>,
        } else {
        }
        scf.yield %select_n3A_553, %select_n3A_559, %select_n3A_565, %select_n3A_567 : vector<16xf32>, vector<16xf32>, vector<16xf32>, vector<16xf32>
      }
      %scan3A_132 = arith.constant 32 : i32
      %add3A_133 = arith.constant 2 : i32
      %add3A_134 = arith.addi %add3A_102, %add3A_133 : i32
      %lt3A_135 = arith.constant 16 : i32
      %lt3A_136 = arith.cmpi slt, %add3A_134, %lt3A_135 : i32
      %convert_element_type3A_137 = arith.extui %lt3A_136 : i1 to i32
      %cond3A_138 = arith.constant 0 : i32
      %cond3A_139 = arith.cmpi ne, %convert_element_type3A_137, %cond3A_138 : i32
      scf.if %cond3A_139 {
        %add3A_140 = arith.constant 2 : i32
        %add3A_141 = arith.addi %add3A_102, %add3A_140 : i32
        %mul3A_142 = arith.constant 32 : i32
        %mul3A_143 = arith.muli %add3A_141, %mul3A_142 : i32
        %add3A_144 = arith.addi %mul3A_2, %mul3A_143 : i32
        %dma_start3A_145 = arith.constant 32 : i32
        %dma_start3A_146 = arith.constant 0 : i32
        %dma_start3A_147 = tpu.memref_slice %arg8[%dma_start3A_145, %dma_start3A_146] : memref<64x1000xf32, #tpu.memory_space<vmem>> -> memref<32x1000xf32, #tpu.memory_space<vmem>>
        %dma_start3A_148 = arith.constant 0 : i32
        %dma_start3A_149 = tpu.memref_slice %arg2[%add3A_144, %dma_start3A_148] : memref<16384x1000xf32, #tpu.memory_space<hbm>> -> memref<32x1000xf32, #tpu.memory_space<hbm>>
        %dma_start3A_150 = arith.constant 32 : i32
        %dma_start3A_151 = arith.constant 0 : i32
        %dma_start3A_152 = tpu.memref_slice %arg8[%dma_start3A_150, %dma_start3A_151] : memref<64x1000xf32, #tpu.memory_space<vmem>> -> memref<32x1000xf32, #tpu.memory_space<vmem>>
        %dma_start3A_153 = arith.constant 0 : i32
        %dma_start3A_154 = tpu.memref_slice %arg2[%add3A_144, %dma_start3A_153] : memref<16384x1000xf32, #tpu.memory_space<hbm>> -> memref<32x1000xf32, #tpu.memory_space<hbm>>
        tpu.enqueue_dma source(%dma_start3A_154 : memref<32x1000xf32, #tpu.memory_space<hbm>>) target(%dma_start3A_152 : memref<32x1000xf32, #tpu.memory_space<vmem>>) target_semaphore(%arg16 : memref<!tpu.dma_semaphore, #tpu.memory_space<semaphore_mem>>)
        %dma_start3A_155 = arith.constant 32 : i32
        %dma_start3A_156 = arith.constant 0 : i32
        %dma_start3A_157 = tpu.memref_slice %arg9[%dma_start3A_155, %dma_start3A_156] : memref<64x50xi32, #tpu.memory_space<vmem>> -> memref<32x50xi32, #tpu.memory_space<vmem>>
        %dma_start3A_158 = arith.constant 0 : i32
        %dma_start3A_159 = tpu.memref_slice %arg3[%add3A_144, %dma_start3A_158] : memref<16384x50xi32, #tpu.memory_space<hbm>> -> memref<32x50xi32, #tpu.memory_space<hbm>>
        %dma_start3A_160 = arith.constant 32 : i32
        %dma_start3A_161 = arith.constant 0 : i32
        %dma_start3A_162 = tpu.memref_slice %arg9[%dma_start3A_160, %dma_start3A_161] : memref<64x50xi32, #tpu.memory_space<vmem>> -> memref<32x50xi32, #tpu.memory_space<vmem>>
        %dma_start3A_163 = arith.constant 0 : i32
        %dma_start3A_164 = tpu.memref_slice %arg3[%add3A_144, %dma_start3A_163] : memref<16384x50xi32, #tpu.memory_space<hbm>> -> memref<32x50xi32, #tpu.memory_space<hbm>>
        tpu.enqueue_dma source(%dma_start3A_164 : memref<32x50xi32, #tpu.memory_space<hbm>>) target(%dma_start3A_162 : memref<32x50xi32, #tpu.memory_space<vmem>>) target_semaphore(%arg16 : memref<!tpu.dma_semaphore, #tpu.memory_space<semaphore_mem>>)
      } else {
      }
      scf.yield %scan3A_131#0, %scan3A_131#1, %scan3A_131#2, %scan3A_131#3 : vector<16xf32>, vector<16xf32>, vector<16xf32>, vector<16xf32>
    }
    %scan3A_60 = arith.constant 8 : i32
    "tpu.region"() ({
      %run_scoped3A = tpu.sem_alloc : memref<!tpu.dma_semaphore, #tpu.memory_space<semaphore_mem>>
      %dma_start3A_61 = tpu.memref_slice %arg4[%mul3A_2] : memref<16384xf32, #tpu.memory_space<hbm>> -> memref<512xf32, #tpu.memory_space<hbm>>
      %dma_start3A_62 = tpu.memref_slice %arg4[%mul3A_2] : memref<16384xf32, #tpu.memory_space<hbm>> -> memref<512xf32, #tpu.memory_space<hbm>>
      tpu.enqueue_dma source(%arg11 : memref<512xf32, #tpu.memory_space<vmem>>) target(%dma_start3A_62 : memref<512xf32, #tpu.memory_space<hbm>>) target_semaphore(%run_scoped3A : memref<!tpu.dma_semaphore, #tpu.memory_space<semaphore_mem>>)
      %dma_wait3A = tpu.memref_slice %arg4[%mul3A_2] : memref<16384xf32, #tpu.memory_space<hbm>> -> memref<512xf32, #tpu.memory_space<hbm>>
      %dma_wait3A_63 = tpu.memref_slice %arg4[%mul3A_2] : memref<16384xf32, #tpu.memory_space<hbm>> -> memref<512xf32, #tpu.memory_space<hbm>>
      tpu.wait_dma2 semaphore(%run_scoped3A : memref<!tpu.dma_semaphore, #tpu.memory_space<semaphore_mem>>) src(%arg11 : memref<512xf32, #tpu.memory_space<vmem>>) dst(%dma_wait3A_63 : memref<512xf32, #tpu.memory_space<hbm>>)
      tpu.yield
    }) : () -> ()
    "tpu.region"() ({
      %run_scoped3A = tpu.sem_alloc : memref<!tpu.dma_semaphore, #tpu.memory_space<semaphore_mem>>
      %dma_start3A_61 = tpu.memref_slice %arg5[%mul3A_2] : memref<16384xf32, #tpu.memory_space<hbm>> -> memref<512xf32, #tpu.memory_space<hbm>>
      %dma_start3A_62 = tpu.memref_slice %arg5[%mul3A_2] : memref<16384xf32, #tpu.memory_space<hbm>> -> memref<512xf32, #tpu.memory_space<hbm>>
      tpu.enqueue_dma source(%arg12 : memref<512xf32, #tpu.memory_space<vmem>>) target(%dma_start3A_62 : memref<512xf32, #tpu.memory_space<hbm>>) target_semaphore(%run_scoped3A : memref<!tpu.dma_semaphore, #tpu.memory_space<semaphore_mem>>)
      %dma_wait3A = tpu.memref_slice %arg5[%mul3A_2] : memref<16384xf32, #tpu.memory_space<hbm>> -> memref<512xf32, #tpu.memory_space<hbm>>
      %dma_wait3A_63 = tpu.memref_slice %arg5[%mul3A_2] : memref<16384xf32, #tpu.memory_space<hbm>> -> memref<512xf32, #tpu.memory_space<hbm>>
      tpu.wait_dma2 semaphore(%run_scoped3A : memref<!tpu.dma_semaphore, #tpu.memory_space<semaphore_mem>>) src(%arg12 : memref<512xf32, #tpu.memory_space<vmem>>) dst(%dma_wait3A_63 : memref<512xf32, #tpu.memory_space<hbm>>)
      tpu.yield
    }) : () -> ()
    "tpu.region"() ({
      %run_scoped3A = tpu.sem_alloc : memref<!tpu.dma_semaphore, #tpu.memory_space<semaphore_mem>>
      %dma_start3A_61 = tpu.memref_slice %arg6[%mul3A_2] : memref<16384xf32, #tpu.memory_space<hbm>> -> memref<512xf32, #tpu.memory_space<hbm>>
      %dma_start3A_62 = tpu.memref_slice %arg6[%mul3A_2] : memref<16384xf32, #tpu.memory_space<hbm>> -> memref<512xf32, #tpu.memory_space<hbm>>
      tpu.enqueue_dma source(%arg13 : memref<512xf32, #tpu.memory_space<vmem>>) target(%dma_start3A_62 : memref<512xf32, #tpu.memory_space<hbm>>) target_semaphore(%run_scoped3A : memref<!tpu.dma_semaphore, #tpu.memory_space<semaphore_mem>>)
      %dma_wait3A = tpu.memref_slice %arg6[%mul3A_2] : memref<16384xf32, #tpu.memory_space<hbm>> -> memref<512xf32, #tpu.memory_space<hbm>>
      %dma_wait3A_63 = tpu.memref_slice %arg6[%mul3A_2] : memref<16384xf32, #tpu.memory_space<hbm>> -> memref<512xf32, #tpu.memory_space<hbm>>
      tpu.wait_dma2 semaphore(%run_scoped3A : memref<!tpu.dma_semaphore, #tpu.memory_space<semaphore_mem>>) src(%arg13 : memref<512xf32, #tpu.memory_space<vmem>>) dst(%dma_wait3A_63 : memref<512xf32, #tpu.memory_space<hbm>>)
      tpu.yield
    }) : () -> ()
    "tpu.region"() ({
      %run_scoped3A = tpu.sem_alloc : memref<!tpu.dma_semaphore, #tpu.memory_space<semaphore_mem>>
      %dma_start3A_61 = tpu.memref_slice %arg7[%mul3A_2] : memref<16384xf32, #tpu.memory_space<hbm>> -> memref<512xf32, #tpu.memory_space<hbm>>
      %dma_start3A_62 = tpu.memref_slice %arg7[%mul3A_2] : memref<16384xf32, #tpu.memory_space<hbm>> -> memref<512xf32, #tpu.memory_space<hbm>>
      tpu.enqueue_dma source(%arg14 : memref<512xf32, #tpu.memory_space<vmem>>) target(%dma_start3A_62 : memref<512xf32, #tpu.memory_space<hbm>>) target_semaphore(%run_scoped3A : memref<!tpu.dma_semaphore, #tpu.memory_space<semaphore_mem>>)
      %dma_wait3A = tpu.memref_slice %arg7[%mul3A_2] : memref<16384xf32, #tpu.memory_space<hbm>> -> memref<512xf32, #tpu.memory_space<hbm>>
      %dma_wait3A_63 = tpu.memref_slice %arg7[%mul3A_2] : memref<16384xf32, #tpu.memory_space<hbm>> -> memref<512xf32, #tpu.memory_space<hbm>>
      tpu.wait_dma2 semaphore(%run_scoped3A : memref<!tpu.dma_semaphore, #tpu.memory_space<semaphore_mem>>) src(%arg14 : memref<512xf32, #tpu.memory_space<vmem>>) dst(%dma_wait3A_63 : memref<512xf32, #tpu.memory_space<hbm>>)
      tpu.yield
    }) : () -> ()
    return
  }
}

module attributes {stable_mosaic.version = 14 : i64} {
  func.func @kern(%arg0: i32, %arg1: memref<512x1000xf32, #tpu.memory_space<vmem>>, %arg2: memref<512xf32, #tpu.memory_space<vmem>>, %arg3: memref<512xf32, #tpu.memory_space<vmem>>) attributes {dimension_semantics = [#tpu.dimension_semantics<arbitrary>], iteration_bounds = array<i64: 32>, scalar_prefetch = 0 : i64, scratch_operands = 0 : i64, tpu.core_type = #tpu.core_type<tc>, window_params = [{transform_indices = @transform_0, window_bounds = array<i64: 512, 1000>}, {transform_indices = @transform_1, window_bounds = array<i64: 512>}, {transform_indices = @transform_2, window_bounds = array<i64: 512>}]} {
    %get3A = arith.constant 0 : index
    %get3A_0 = arith.constant 0 : index
    %get3A_1 = vector.load %arg1[%get3A, %get3A_0] : memref<512x1000xf32, #tpu.memory_space<vmem>>, vector<512x1000xf32>
    %mul3A = arith.mulf %get3A_1, %get3A_1 : vector<512x1000xf32>
    %reduce_sum3A = arith.constant dense<0.000000e+00> : vector<512xf32>
    %reduce_sum3A_2 = vector.multi_reduction <add>, %mul3A, %reduce_sum3A [1] : vector<512x1000xf32> to vector<512xf32>
    %swap3A = arith.constant 0 : index
    %swap3A_3 = vector.load %arg2[%swap3A] : memref<512xf32, #tpu.memory_space<vmem>>, vector<512xf32>
    tpu.vector_store %arg2[%swap3A], %reduce_sum3A_2 {strides = array<i32>} : memref<512xf32, #tpu.memory_space<vmem>>, vector<512xf32>,
    %exp3A = math.exp %get3A_1 : vector<512x1000xf32>
    %reduce_sum3A_4 = arith.constant dense<0.000000e+00> : vector<512xf32>
    %reduce_sum3A_5 = vector.multi_reduction <add>, %exp3A, %reduce_sum3A_4 [1] : vector<512x1000xf32> to vector<512xf32>
    %swap3A_6 = arith.constant 0 : index
    %swap3A_7 = vector.load %arg3[%swap3A_6] : memref<512xf32, #tpu.memory_space<vmem>>, vector<512xf32>
    tpu.vector_store %arg3[%swap3A_6], %reduce_sum3A_5 {strides = array<i32>} : memref<512xf32, #tpu.memory_space<vmem>>, vector<512xf32>,
    return
  }
  func.func @transform_0(%arg0: i32) -> (i32, i32) {
    %c0_i32 = arith.constant 0 : i32
    %c0_i32_0 = arith.constant 0 : i32
    return %arg0, %c0_i32 : i32, i32
  }
  func.func @transform_1(%arg0: i32) -> i32 {
    %c0_i32 = arith.constant 0 : i32
    return %arg0 : i32
  }
  func.func @transform_2(%arg0: i32) -> i32 {
    %c0_i32 = arith.constant 0 : i32
    return %arg0 : i32
  }
}

module attributes {stable_mosaic.version = 14 : i64} {
  func.func @kern(%arg0: memref<16384xf32, #tpu.memory_space<vmem>>, %arg1: memref<16384xf32, #tpu.memory_space<vmem>>, %arg2: memref<16384xf32, #tpu.memory_space<vmem>>, %arg3: memref<16384xf32, #tpu.memory_space<vmem>>, %arg4: memref<16384xf32, #tpu.memory_space<vmem>>, %arg5: memref<16384xf32, #tpu.memory_space<vmem>>, %arg6: memref<16384xf32, #tpu.memory_space<vmem>>, %arg7: memref<1x1xf32, #tpu.memory_space<vmem>>) attributes {dimension_semantics = [], scalar_prefetch = 0 : i64, scratch_operands = 0 : i64, tpu.core_type = #tpu.core_type<tc>} {
    %get3A = arith.constant 0 : index
    %get3A_0 = vector.load %arg5[%get3A] : memref<16384xf32, #tpu.memory_space<vmem>>, vector<16384xf32>
    %get3A_1 = arith.constant 0 : index
    %get3A_2 = vector.load %arg6[%get3A_1] : memref<16384xf32, #tpu.memory_space<vmem>>, vector<16384xf32>
    %get3A_3 = arith.constant 0 : index
    %get3A_4 = vector.load %arg0[%get3A_3] : memref<16384xf32, #tpu.memory_space<vmem>>, vector<16384xf32>
    %get3A_5 = arith.constant 0 : index
    %get3A_6 = vector.load %arg2[%get3A_5] : memref<16384xf32, #tpu.memory_space<vmem>>, vector<16384xf32>
    %mul3A = arith.constant 2.000000e+00 : f32
    %mul3A_7 = vector.broadcast %mul3A : f32 to vector<16384xf32>
    %mul3A_8 = arith.mulf %mul3A_7, %get3A_6 : vector<16384xf32>
    %sub3A = arith.subf %get3A_4, %mul3A_8 : vector<16384xf32>
    %add3A = arith.addf %sub3A, %get3A_0 : vector<16384xf32>
    %mul3A_9 = arith.mulf %get3A_2, %add3A : vector<16384xf32>
    %get3A_10 = arith.constant 0 : index
    %get3A_11 = vector.load %arg3[%get3A_10] : memref<16384xf32, #tpu.memory_space<vmem>>, vector<16384xf32>
    %get3A_12 = arith.constant 0 : index
    %get3A_13 = vector.load %arg1[%get3A_12] : memref<16384xf32, #tpu.memory_space<vmem>>, vector<16384xf32>
    %get3A_14 = arith.constant 0 : index
    %get3A_15 = vector.load %arg4[%get3A_14] : memref<16384xf32, #tpu.memory_space<vmem>>, vector<16384xf32>
    %sub3A_16 = arith.subf %get3A_13, %get3A_15 : vector<16384xf32>
    %mul3A_17 = arith.mulf %get3A_11, %sub3A_16 : vector<16384xf32>
    %sub3A_18 = arith.constant 1.000000e+03 : f32
    %sub3A_19 = vector.broadcast %sub3A_18 : f32 to vector<16384xf32>
    %sub3A_20 = arith.subf %sub3A_19, %get3A_0 : vector<16384xf32>
    %mul3A_21 = arith.mulf %get3A_0, %sub3A_20 : vector<16384xf32>
    %div3A = arith.divf %mul3A_17, %mul3A_21 : vector<16384xf32>
    %reduce_sum3A = vector.shape_cast %mul3A_9 : vector<16384xf32> to vector<1x16384xf32>
    %reduce_sum3A_22 = arith.constant dense<0.000000e+00> : vector<1xf32>
    %reduce_sum3A_23 = vector.multi_reduction <add>, %reduce_sum3A, %reduce_sum3A_22 [1] : vector<1x16384xf32> to vector<1xf32>
    %reduce_sum3A_24 = vector.shape_cast %reduce_sum3A_23 : vector<1xf32> to vector<1x1xf32>
    %reduce_sum3A_25 = vector.extract %reduce_sum3A_24[0, 0] : f32 from vector<1x1xf32>
    %reduce_sum3A_26 = vector.shape_cast %div3A : vector<16384xf32> to vector<1x16384xf32>
    %reduce_sum3A_27 = arith.constant dense<0.000000e+00> : vector<1xf32>
    %reduce_sum3A_28 = vector.multi_reduction <add>, %reduce_sum3A_26, %reduce_sum3A_27 [1] : vector<1x16384xf32> to vector<1xf32>
    %reduce_sum3A_29 = vector.shape_cast %reduce_sum3A_28 : vector<1xf32> to vector<1x1xf32>
    %reduce_sum3A_30 = vector.extract %reduce_sum3A_29[0, 0] : f32 from vector<1x1xf32>
    %mul3A_31 = arith.constant 1.000000e+01 : f32
    %mul3A_32 = arith.mulf %mul3A_31, %reduce_sum3A_30 : f32
    %add3A_33 = arith.addf %reduce_sum3A_25, %mul3A_32 : f32
    %mul3A_34 = arith.constant 6.10351563E-5 : f32
    %mul3A_35 = arith.mulf %add3A_33, %mul3A_34 : f32
    %reshape3A = vector.broadcast %mul3A_35 : f32 to vector<1x1xf32>
    %swap3A = arith.constant 0 : index
    %swap3A_36 = arith.constant 0 : index
    %swap3A_37 = vector.load %arg7[%swap3A, %swap3A_36] : memref<1x1xf32, #tpu.memory_space<vmem>>, vector<1x1xf32>
    tpu.vector_store %arg7[%swap3A, %swap3A_36], %reshape3A {strides = array<i32>} : memref<1x1xf32, #tpu.memory_space<vmem>>, vector<1x1xf32>,
    return
  }
}

</mosaic_0001>

<sc_bundles>
// kernel: kernel.5.cloned.1.call-start
scs
__scs_entry_jumppad:
0x0: {  	(pc) =	sbr.rel $0x88, $3  }
0x1: {  	(tag) =	ssettag $0x0;
	lr =	simm.s32 $0x1  }
0x2: {  	[smem:$0x3F9E] =	sst lr;
	_ =	strace $0xD0000000  }
0x3: {  	_ = 	snop  }
0x4: {  	_ = 	snop  }
0x5: {  	_ = 	snop  }
0x6: {  	_ = 	snop  }
0x7: {  	_ = 	snop  }
__scs_overlays_trampoline_lowered:
0x8: {  	[smem:$0x3FAD] =	sst s0  }
0x9: {  	[smem:$0x3FAE] =	sst s1  }
0xa: {  	[smem:$0x3FAF] =	sst s2  }
0xb: {  	[smem:$0x3FB0] =	sst s3  }
0xc: {  	[smem:$0x3FB1] =	sst s4  }
0xd: {  	[smem:$0x3FB2] =	sst s5  }
0xe: {  	[smem:$0x3FB3] =	sst s6  }
0xf: {  	[smem:$0x3FB4] =	sst s7  }
0x10: {  	[smem:$0x3FB5] =	sst s8  }
0x11: {  	[smem:$0x3FB6] =	sst s9;
	s0 =	simm.s32 @!p0 $0x0  }
0x12: {  	s1 =	sld [smem:$0x3F9C];
	s0 =	simm.s32 @p0 $0x1  }
0x13: {  	[smem:$0x3FB7] =	sst s0;
	s0 =	simm.s32 @!p1 $0x0  }
0x14: {  	s2 =	sld [smem:$0x3F9B];
	s0 =	simm.s32 @p1 $0x1  }
0x15: {  	[smem:$0x3FB8] =	sst s0;
	s0 =	simm.s32 @!p2 $0x0  }
0x16: {  	s3 =	sld [smem:$0x3FDB];
	s0 =	simm.s32 @p2 $0x1  }
0x17: {  	s4 =	simm.s32 $0x1BF5;
	[smem:$0x3FBA] =	sst s0  }
0x18: {  	s0 =	sld [smem:$0x3F9D];
	_ =	swait.ge [sflag:s4], $0x0  }
0x19: {  	s7 =	sld [smem:$0x3F9E]  }
0x1a: {  	s8 =	sadd.s32 $0xFFFFE003, lr  }
0x1b: {  	s9 =	sadd.s32 $0xFFFFFEF7, lr;
	s5 =	simm.s32 $0xFFFFFFFF;
	p2 =	slt.u32 s8, $0xFFFFF086  }
0x1c: {  	p1 =	slt.u32 s9, $0xF7A;
	s5 =	simm.s32 @!p2 $0x0  }
0x1d: {  	s5 =	simm.s32 @p1 $0x1;
	p0 =	seq.s32 s7, s2  }
0x1e: {  	s7 =	smul.u32 @!p0 $0xF7A, s2;
	p2 =	seq.s32 @!p0 s5, $0x0  }
0x1f: {  	s9 =	smul.u32 $0xF7A, s1;
	s8 =	simm.s32 @!p0 $0x1BF5;
	p2 =	por !p2, p0  }
0x20: {  	[sflag:s8] =	ssyncset.s32 @!p0 $0xFFFFF086;
	s6 =	sadd.s32 @!p0 s3, s7;
	s7 =	simm.s32 @!p0 $0x108  }
0x21: {  	s3 =	sadd.s32 s3, s9;
	s6 =	sadd.s32 @!p0 $0x88, s6;
	s7 =	simm.s32 @p2 $0x1082  }
0x22: {  	[simem:s7], [sflag:s8] =	dma.local @!p0 [hbm:s6], $0xF7A  }
0x23: {  	s9 =	sor.u32 $0xD0000000, s2;
	s6 =	simm.s32 $0x108;
	_ =	swait.ge @!p0 [sflag:s8], $0x0  }
0x24: {  	s3 =	sadd.s32 $0x88, s3;
	s6 =	simm.s32 @!p1 $0x1082;
	[sflag:s4] =	ssyncset.s32 $0xFFFFF086  }
0x25: {  	[simem:s6], [sflag:s4] =	dma.local [hbm:s3], $0xF7A  }
0x26: {  	[smem:$0x3F9E] =	sst s1;
	(tag) =	ssettag s2;
	_ =	strace s9  }
0x27: {  	s1 =	sld [smem:$0x3FAE]  }
0x28: {  	s2 =	sld [smem:$0x3FAF]  }
0x29: {  	s4 =	sld [smem:$0x3FB1]  }
0x2a: {  	p0 =	seq.s32 s5, $0x0;
	s5 =	sld [smem:$0x3FB2]  }
0x2b: {  	s6 =	sld [smem:$0x3FB3]  }
0x2c: {  	s7 =	sld [smem:$0x3FB4]  }
0x2d: {  	s3 =	simm.s32 $0x108;
	s8 =	sld [smem:$0x3FB5]  }
0x2e: {  	s3 =	simm.s32 @!p0 $0x1082;
	s9 =	sld [smem:$0x3FB6]  }
0x2f: {  	lr =	sadd.s32 s0, s3;
	s0 =	sld [smem:$0x3FAD]  }
0x30: {  	s3 =	sld [smem:$0x3FB0]  }
0x31: {  	[smem:$0x3FB9] =	sst s10  }
0x32: {  	s10 =	sld [smem:$0x3FB7];
	_ =	sdelay $0x3  }
0x33: {  	p0 =	seq.s32 s10, $0x1;
	s10 =	sld [smem:$0x3FB9];
	_ =	sdelay $0x3  }
0x34: {  	[smem:$0x3FB9] =	sst s10  }
0x35: {  	s10 =	sld [smem:$0x3FB8];
	_ =	sdelay $0x3  }
0x36: {  	p1 =	seq.s32 s10, $0x1;
	s10 =	sld [smem:$0x3FB9];
	_ =	sdelay $0x3  }
0x37: {  	[smem:$0x3FB9] =	sst s10  }
0x38: {  	s10 =	sld [smem:$0x3FBA]  }
0x39: {  	_ = 	snop;
	(pc) =	sbr.ind lr, $3  }
0x3a: {  	_ = 	snop  }
0x3b: {  	_ = 	snop  }
0x3c: {  	p2 =	seq.s32 s10, $0x1;
	s10 =	sld [smem:$0x3FB9]  }
0x3d: {  	_ =	shalt  }
0x3e: {  	_ =	shalt  }
0x3f: {  	_ =	shalt  }
0x40: {  	_ =	shalt  }
0x41: {  	_ =	shalt  }
0x42: {  	_ =	shalt  }
0x43: {  	_ =	shalt  }
0x44: {  	_ =	shalt  }
0x45: {  	_ =	shalt  }
0x46: {  	_ =	shalt  }
0x47: {  	_ =	shalt  }
0x48: {  	_ =	shalt  }
0x49: {  	_ =	shalt  }
0x4a: {  	_ =	shalt  }
0x4b: {  	_ =	shalt  }
0x4c: {  	_ =	shalt  }
0x4d: {  	_ =	shalt  }
0x4e: {  	_ =	shalt  }
0x4f: {  	_ =	shalt  }
0x50: {  	_ =	shalt  }
0x51: {  	_ =	shalt  }
0x52: {  	_ =	shalt  }
0x53: {  	_ =	shalt  }
0x54: {  	_ =	shalt  }
0x55: {  	_ =	shalt  }
0x56: {  	_ =	shalt  }
0x57: {  	_ =	shalt  }
0x58: {  	_ =	shalt  }
0x59: {  	_ =	shalt  }
0x5a: {  	_ =	shalt  }
0x5b: {  	_ =	shalt  }
0x5c: {  	_ =	shalt  }
0x5d: {  	_ =	shalt  }
0x5e: {  	_ =	shalt  }
0x5f: {  	_ =	shalt  }
0x60: {  	_ =	shalt  }
0x61: {  	_ =	shalt  }
0x62: {  	_ =	shalt  }
0x63: {  	_ =	shalt  }
0x64: {  	_ =	shalt  }
0x65: {  	_ =	shalt  }
0x66: {  	_ =	shalt  }
0x67: {  	_ =	shalt  }
0x68: {  	_ =	shalt  }
0x69: {  	_ =	shalt  }
0x6a: {  	_ =	shalt  }
0x6b: {  	_ =	shalt  }
0x6c: {  	_ =	shalt  }
0x6d: {  	_ =	shalt  }
0x6e: {  	_ =	shalt  }
0x6f: {  	_ =	shalt  }
0x70: {  	_ =	shalt  }
0x71: {  	_ =	shalt  }
0x72: {  	_ =	shalt  }
0x73: {  	_ =	shalt  }
0x74: {  	_ =	shalt  }
0x75: {  	_ =	shalt  }
0x76: {  	_ =	shalt  }
0x77: {  	_ =	shalt  }
0x78: {  	_ =	shalt  }
0x79: {  	_ =	shalt  }
0x7a: {  	_ =	shalt  }
0x7b: {  	_ =	shalt  }
0x7c: {  	_ =	shalt  }
0x7d: {  	_ =	shalt  }
0x7e: {  	_ =	shalt  }
0x7f: {  	_ =	shalt  }
0x80: {  	_ =	shalt  }
0x81: {  	_ =	shalt  }
0x82: {  	_ =	shalt  }
0x83: {  	_ =	shalt  }
0x84: {  	_ =	shalt  }
0x85: {  	_ =	shalt  }
0x86: {  	_ =	shalt  }
0x87: {  	_ =	shalt  }
.Lfunc_end0:
.L_simem_size_0:
called_computation_lowered:
.L_overlay_start_0:
0x88: {  	s2 =	sld [smem:$0x3FD9]  }
0x89: {  	s3 =	sld [smem:$0x3FFE];
	_ =	sdelay $0x1  }
0x8a: {  	s1 =	srdreg.scid  }
0x8b: {  	s0 =	sand.u32 $0x1, s1  }
0x8c: {  	s16 =	sshll.u32 s0, $0xA;
	s2 =	sadd.s32 s3, s2  }
0x8d: {  	s2 =	sadd.s32 s2, s16  }
0x8e: {  	[smem:$0x3FC5] =	sst s2  }
0x8f: {  	_ = 	snop  }
0x90: {  	(tm) =	ssettm $0x1  }
0x91: {  	s17 =	sld [smem:$0x3FFB];
	_ =	sdelay $0x3  }
0x92: {  	_ =	strace s17  }
0x93: {  	s2 =	sld [smem:$0x3FFC];
	_ =	sdelay $0x3  }
0x94: {  	_ =	strace s2  }
0x95: {  	s2 =	sld [smem:$0x3FFD];
	_ =	sdelay $0x3  }
0x96: {  	_ =	strace s2  }
0x97: {  	_ =	strace $0x8FFFFFFF  }
0x98: {  	s18 =	sld [smem:$0x3FDB];
	_ =	sdelay $0x1  }
0x99: {  	s19 =	simm.s32 $_scs_section_size  }
0x9a: {  	s4 =	simm.s32 $_size__tile_overlayer_lowered;
	s5 =	simm.s32 $_tile_overlayer_lowered  }
0x9b: {  	s22 =	simm.s32 $0x1BFF;
	s21 =	sshll.u32 s5, $0x1;
	s2 =	sadd.s32 s19, s18  }
0x9c: {  	s6 =	simm.s32 $0x0;
	s20 =	sshll.u32 s4, $0x1;
	s4 =	sadd.s32 s21, s2  }
0x9d: {  	[timem:s6], [sflag:s22] =	dma.local [hbm:s4], s20  }
0x9e: {  	_ =	swait.ge [sflag:s22], s20  }
0x9f: {  	s3 =	ssub.s32 $0x0, s20;
	[sflag:s22] =	ssyncset.done $0x0  }
0xa0: {  	[sflag:s22] =	ssyncadd.s32 s3;
	_ =	sdelay $0x1  }
0xa1: {  	s23 =	simm.s32 $0x1B8B  }
0xa2: {  	_ =	swait.ge [sflag:s23], $0x1  }
0xa3: {  	[sflag:s23] =	ssyncset.done $0x0  }
0xa4: {  	s25 =	simm.s32 $0x1B8E;
	s24 =	sld [smem:$0x3FFE];
	[sflag:s23] =	ssyncadd.s32 $0xFFFFFFFF  }
0xa5: {  	s26 =	simm.s32 $execute0_lowered;
	[smem:$0x3FD2] =	sst s25  }
0xa6: {  	s4 =	sshll.u32 s26, $0x1;
	_ =	strace $0x80000046;
	[dreg:$0x1] =	wrdreg $0xFFFFFFFF  }
0xa7: {  	s28 =	simm.s32 $_size_execute0_lowered;
	s2 =	sadd.s32 s2, s4;
	[dreg:$0x0] =	wrdreg $0x0  }
0xa8: {  	s4 =	sshll.u32 s28, $0x1;
	[dreg:$0x2] =	wrdreg s2  }
0xa9: {  	[dreg:$0x3] =	wrdreg s4  }
0xaa: {  	[dreg:$0x4] =	wrdreg $0xC0  }
0xab: {  	_ =	task [dreg:s6], $0x5FFFF  }
0xac: {  	[dreg:$0x1] =	wrdreg $0xFFFFFFFF  }
0xad: {  	[dreg:$0x0] =	wrdreg $0x60  }
0xae: {  	[dreg:$0x2] =	wrdreg s24  }
0xaf: {  	[dreg:$0x3] =	wrdreg $0x9  }
0xb0: {  	_ =	task.clear_ibuf [dreg:s6], $0x4FFFF;
	_ =	strace $0x90000046  }
0xb1: {  	s29 =	simm.s32 $0x9;
	_ =	strace $0x80000048  }
0xb2: {  	_ =	swait.ge [sflag:s29], $0x1  }
0xb3: {  	[sflag:s29] =	ssyncadd.s32 $0xFFFFFFFF  }
0xb4: {  	_ =	strace $0x90000048  }
0xb5: {  	_ =	sfence  }
0xb6: {  	s30 =	sld [smem:$0x0];
	_ =	sdelay $0x2  }
0xb7: {  	s31 =	sshll.u32 s1, $0xD;
	s1 =	sshrl.u32 s1, $0x2  }
0xb8: {  	s3 =	sand.u32 $0x4000, s31;
	s1 =	sadd.s32 s1, s30  }
0xb9: {  	s0 =	sor.u32 s3, s0;
	s1 =	sshll.u32 s1, $0x11  }
0xba: {  	s0 =	sor.u32 s1, s0  }
0xbb: {  	s0 =	sadd.s32 $0x8F2B, s0  }
0xbc: {  	[sflag:s0] =	ssyncadd.remote.s32 $0x1  }
0xbd: {  	_ =	sfence.sel $0xFFFF  }
0xbe: {  	[dreg:$0x0] =	wrdreg $0xFFFFFFFF;
	(pc) =	sbr.abs _section_cstart, $3  }
0xbf: {  	[dreg:$0x1] =	wrdreg $0xFFFFFFFF  }
0xc0: {  	_ =	task.clear_ibuf [dreg:s6], $0x2FFFF;
	_ =	strace $0x9FFFFFFF  }
0xc1: {  	(tm) =	ssettm $0x7FFFFFFF  }
tec
execute0_lowered:
.L_overlay_start_1:
0x0: {  	(tag) =	ssettag $0x1  }
0x1: {  	s0 =	rddreg [dreg:$0x0];
	s1 =	srdreg.scid;
	s2 =	simm.s32 $0x0  }
0x2: {  	s3 =	stileid.u32;
	s17 =	simm.s32 $0x8000;
	s18 =	simm.s32 $0x11000  }
0x3: {  	s19 =	simm.s32 $0x12000;
	s1 =	sand.u32 $0x1, s1;
	[smem:$0x7FF] =	sst s2  }
0x4: {  	s4 =	sshll.u32 s3, $0xA;
	s3 =	sadd.s32 $0x1600, s0;
	s5 =	sshll.u32 s1, $0x9  }
0x5: {  	_ =	strace $0x80000047;
	s1 =	ssub.s32 $0x2, s1;
	s5 =	sor.u32 s5, s4  }
0x6: {  	s4 =	sadd.s32 $0x201600, s0;
	s7 =	sshrl.u32 s1, $0x1;
	s8 =	sshll.u32 s5, $0x7  }
0x7: {  	s6 =	sshrl.u32 s5, $0x3;
	s24 =	sshll.u32 s5, $0x4;
	s23 =	sadd.s32 s3, s8  }
0x8: {  	s1 =	ssub.s32 s1, s7;
	s7 =	sadd.s32 s4, s24;
	[dreg:$0x2] =	wrdreg s23  }
0x9: {  	s0 =	sadd.s32 s6, s0;
	s31 =	smax.u32 s1, $0x1;
	[dreg:$0x3] =	wrdreg s7  }
0xa: {  	s20 =	simm.s32 $0x2;
	s28 =	sadd.s32 $0x241600, s0;
	[dreg:$0xa] =	wrdreg s31  }
0xb: {  	s6 =	sor.u32 $0x4, s6;
	s29 =	sadd.s32 $0x241E00, s0;
	[dreg:$0x6] =	wrdreg s28  }
.Ltmp0:
0xc: {  	s30 =	sadd.s32 $0x242600, s0;
	[dreg:$0x7] =	wrdreg s29;
	(pc) =	sbr.rel .LBB2_1-.Ltmp0, $4  }
0xd: {  	s25 =	sshll.u32 s6, $0xA;
	s0 =	sadd.s32 $0x242E00, s0;
	[dreg:$0x8] =	wrdreg s30  }
0xe: {  	s6 =	sshll.u32 s6, $0x7;
	s26 =	sadd.s32 s3, s25;
	[dreg:$0x9] =	wrdreg s0  }
0xf: {  	s9 =	sor.u32 $0x40, s5;
	s6 =	sadd.s32 s4, s6;
	[dreg:$0x4] =	wrdreg s26  }
0x10: {  	v0 =	vimm.s32 $0xFFFFFFFF;
	v1 =	vlaneseq.u32;
	v2 =	vimm.f32 $0.0e+00;
	s12 =	sor.u32 $0x60, s5;
	[dreg:$0x5] =	wrdreg s6;
	s26 =	simm.s32 $0x0  }
.LBB2_10:
0x11: {  	s0 =	rddreg [dreg:$0x6];
	s1 =	simm.s32 $0x12400;
	s23 =	simm.s32 $0x3  }
0x12: {  	[hbm4b:s0+s2] =	stream.linear.scatter [tilespmem:s1], [sflag:$0x3], $0x200, $0x38;
	[tilespmem:$0x12C00] =	vst v63  }
0x13: {  	_ =	swait.ge [sflag:s23], $0x200  }
0x14: {  	[sflag:s23] =	ssyncset.done $0x0  }
0x15: {  	s5 =	simm.s32 $0x12600;
	s24 =	rddreg [dreg:$0x7];
	[sflag:s23] =	ssyncadd.s32 $0xFFFFFE00  }
0x16: {  	[hbm4b:s24+s2] =	stream.linear.scatter [tilespmem:s5], [sflag:$0x3], $0x200, $0x38;
	[tilespmem:$0x12C00] =	vst v63  }
0x17: {  	_ =	swait.ge [sflag:s23], $0x200  }
0x18: {  	[sflag:s23] =	ssyncset.done $0x0  }
0x19: {  	s28 =	simm.s32 $0x12800;
	s25 =	rddreg [dreg:$0x8];
	[sflag:s23] =	ssyncadd.s32 $0xFFFFFE00  }
0x1a: {  	[hbm4b:s25+s2] =	stream.linear.scatter [tilespmem:s28], [sflag:$0x3], $0x200, $0x38;
	[tilespmem:$0x12C00] =	vst v63  }
0x1b: {  	_ =	swait.ge [sflag:s23], $0x200  }
0x1c: {  	[sflag:s23] =	ssyncset.done $0x0  }
0x1d: {  	s30 =	simm.s32 $0x12A00;
	s29 =	rddreg [dreg:$0x9];
	[sflag:s23] =	ssyncadd.s32 $0xFFFFFE00  }
0x1e: {  	[hbm4b:s29+s2] =	stream.linear.scatter [tilespmem:s30], [sflag:$0x3], $0x200, $0x38;
	[tilespmem:$0x12C00] =	vst v63  }
0x1f: {  	_ =	swait.ge [sflag:s23], $0x200  }
0x20: {  	s26 =	sadd.s32 $0x1, s26;
	s31 =	rddreg [dreg:$0xa]  }
0x21: {  	p0 =	sne.s32 s26, s31  }
.Ltmp1:
0x22: {  	_ = 	snop;
	(pc) =	sbr.rel @!p0 .LBB2_11-.Ltmp1, $3  }
0x23: {  	_ =	sdelay $0x1  }
0x24: {  	[sflag:s23] =	ssyncset.done $0x0  }
0x25: {  	[sflag:s23] =	ssyncadd.s32 $0xFFFFFE00  }
.LBB2_1:
0x26: {  	s0 =	rddreg [dreg:$0x2]  }
0x27: {  	[tilespmem:s2], [sflag:$0x1] =	stream.linear.gather [hbm4b:s0+s2], $0x8000, $0x38;
	[tilespmem:$0x12C00] =	vst v63  }
0x28: {  	s29 =	rddreg [dreg:$0x3];
	s1 =	simm.s32 $0x10000  }
0x29: {  	[tilespmem:s1], [sflag:$0x1] =	stream.linear.gather [hbm4b:s29+s2], $0x1000, $0x38;
	[tilespmem:$0x12C00] =	vst v63  }
0x2a: {  	s30 =	rddreg [dreg:$0x4]  }
0x2b: {  	[tilespmem:s17], [sflag:$0x2] =	stream.linear.gather [hbm4b:s30+s2], $0x8000, $0x38;
	[tilespmem:$0x12C00] =	vst v63  }
0x2c: {  	s31 =	rddreg [dreg:$0x5];
	s0 =	simm.s32 $0x0  }
0x2d: {  	[tilespmem:s18], [sflag:$0x2] =	stream.linear.gather [hbm4b:s31+s2], $0x1000, $0x38;
	[tilespmem:$0x12C00] =	vst v63  }
.LBB2_2:
0x2e: {  	p0 =	sne.s32 s0, $0xF80  }
.Ltmp2:
0x2f: {  	_ = 	snop;
	(pc) =	sbr.rel @p0 .LBB2_2-.Ltmp2, $3  }
0x30: {  	_ =	sdelay $0x1  }
0x31: {  	s1 =	sshra.s32 s0, $0x2  }
0x32: {  	s0 =	sadd.s32 $0x40, s0;
	[tilespmem:s1+$0x12000] =	vst v0  }
0x33: {  	s28 =	simm.s32 $0x0;
	s14 =	simm.s32 $0x70  }
0x34: {  	s30 =	simm.s32 $0x123F2;
	s31 =	simm.s32 $0x125F2;
	s0 =	simm.s32 $0x127F2  }
0x35: {  	v3 =	vimm.f32 $0.0e+00;
	s1 =	simm.s32 $0x129F2;
	s13 =	simm.s32 $0x870;
	s11 =	simm.s32 $0x12412  }
0x36: {  	s10 =	simm.s32 $0x12612;
	s8 =	simm.s32 $0x12812;
	s7 =	simm.s32 $0x12A12;
	v4 =	vimm.f32 $0.0e+00;
	v6 =	vimm.f32 $0.0e+00;
	v5 =	vimm.f32 $0.0e+00  }
.LBB2_4:
0x37: {  	s6 =	simm.s32 $0x1  }
0x38: {  	_ =	swait.ge [sflag:s6], $0x8000  }
0x39: {  	[sflag:s6] =	ssyncset.done $0x0  }
0x3a: {  	s5 =	sshll.u32 s28, $0x6;
	[sflag:s6] =	ssyncadd.s32 $0xFFFF8000  }
0x3b: {  	s24 =	simm.s32 $0x100A2;
	s23 =	smov.u32 s1;
	_ =	swait.ge [sflag:s6], $0x1000  }
0x3c: {  	s21 =	smov.u32 s0;
	s16 =	smov.u32 s31;
	[sflag:s6] =	ssyncset.done $0x0  }
0x3d: {  	s25 =	smov.u32 s30;
	s29 =	smov.u32 s14;
	[sflag:s6] =	ssyncadd.s32 $0xFFFFF000  }
.LBB2_5:
0x3e: {  	v7 =	vld [tilespmem:s24+$0xFFFFFF5E];
	_ =	sdelay $0x5  }
0x3f: {  	s15 =	sadd.s32 $0xFFFFFF90, s29  }
0x40: {  	v10 =	vor.u32 s15, v1  }
0x41: {  	[tilespmem:v7+s19+$0x0] =	vst.idx.msk $0xffff, v10  }
0x42: {  	v7 =	vld [tilespmem:s24+$0xFFFFFF6E];
	_ =	sdelay $0x5  }
0x43: {  	s22 =	sadd.s32 $0xFFFFFFA0, s29  }
0x44: {  	v11 =	vor.u32 s22, v1  }
0x45: {  	[tilespmem:v7+s19+$0x0] =	vst.idx.msk $0xffff, v11  }
0x46: {  	v7 =	vld [tilespmem:s24+$0xFFFFFF7E];
	_ =	sdelay $0x5  }
0x47: {  	s22 =	sadd.s32 $0xFFFFFFB0, s29  }
0x48: {  	v12 =	vor.u32 s22, v1  }
0x49: {  	[tilespmem:v7+s19+$0x0] =	vst.idx.msk $0xffff, v12  }
0x4a: {  	v7 =	vld [tilespmem:s24+$0xFFFFFF80];
	_ =	sdelay $0x5  }
0x4b: {  	s22 =	sadd.s32 $0xFFFFFFC0, s29  }
0x4c: {  	v13 =	vor.u32 s22, v1  }
0x4d: {  	[tilespmem:v7+s19+$0x0] =	vst.idx.msk $0xffff, v13  }
0x4e: {  	v7 =	vld [tilespmem:s24+$0xFFFFFF5E]  }
0x4f: {  	v8 =	vld [tilespmem:s24+$0xFFFFFF6E]  }
0x50: {  	s15 =	sadd.s32 $0xFFFFFFFF, s6;
	v15 =	vld [tilespmem:s24+$0xFFFFFF7E]  }
0x51: {  	v9 =	vmov s15;
	v19 =	vld [tilespmem:s24+$0xFFFFFF80]  }
0x52: {  	v14 =	vshll.u32 v9, $0xA;
	v9 =	vshll.u32 v9, $0x7  }
0x53: {  	v14 =	vand.u32 $0x6000, v14;
	v9 =	vand.u32 $0x300, v9  }
0x54: {  	v16 =	vand.u32 $0x7F, v7;
	v17 =	vshll.u32 v7, $0x3;
	v18 =	vshll.u32 v8, $0x3  }
0x55: {  	v44 =	vand.u32 $0x7F, v8;
	v45 =	vshll.u32 v15, $0x3;
	v20 =	vand.u32 $0x7F, v15  }
0x56: {  	v21 =	vshll.u32 v19, $0x3;
	v17 =	vand.u32 $0xFFFFFC00, v17;
	v18 =	vand.u32 $0xFFFFFC00, v18  }
0x57: {  	v47 =	vand.u32 $0x7F, v19;
	v17 =	vadd.s32 v14, v17;
	v18 =	vadd.s32 v14, v18  }
0x58: {  	v16 =	vor.u32 v16, v17;
	v17 =	vor.u32 v44, v18;
	v18 =	vand.u32 $0xFFFFFC00, v45  }
0x59: {  	v48 =	vld [tilespmem:s24+$0xFFFFFFDE];
	v46 =	vand.u32 $0xFFFFFC00, v21;
	v16 =	vor.u32 v9, v16;
	v18 =	vadd.s32 v14, v18  }
0x5a: {  	v7 =	vld.idx.msk [tilespmem:v7+s19+$0x0], $0xffff;
	v17 =	vor.u32 v9, v17;
	v14 =	vadd.s32 v14, v46;
	v18 =	vor.u32 v20, v18  }
0x5b: {  	v49 =	vld.idx.msk [tilespmem:v8+s19+$0x0], $0xffff;
	v14 =	vor.u32 v47, v14;
	v18 =	vor.u32 v9, v18  }
0x5c: {  	v15 =	vld.idx.msk [tilespmem:v15+s19+$0x0], $0xffff;
	v8 =	vor.u32 v9, v14  }
0x5d: {  	v50 =	vld.idx.msk [tilespmem:v19+s19+$0x0], $0xffff  }
0x5e: {  	v16 =	vld.idx.msk [tilespmem:v16+s2+$0x0], $0xffff  }
0x5f: {  	s22 =	sadd.s32 $0xFFFFFFD0, s29;
	v14 =	vld.idx.msk [tilespmem:v17+s2+$0x0], $0xffff  }
0x60: {  	v19 =	vor.u32 s22, v1;
	v17 =	vld.idx.msk [tilespmem:v18+s2+$0x0], $0xffff  }
0x61: {  	v9 =	vld.idx.msk [tilespmem:v8+s2+$0x0], $0xffff;
	[tilespmem:v48+s19+$0x0] =	vst.idx.msk $0xffff, v19  }
0x62: {  	v8 =	vld [tilespmem:s24+$0xFFFFFFEE];
	_ =	sdelay $0x5  }
0x63: {  	s22 =	sadd.s32 $0xFFFFFFE0, s29  }
0x64: {  	v20 =	vor.u32 s22, v1  }
0x65: {  	[tilespmem:v8+s19+$0x0] =	vst.idx.msk $0xffff, v20  }
0x66: {  	v22 =	vld [tilespmem:s24+$0xFFFFFFFE];
	_ =	sdelay $0x5  }
0x67: {  	s22 =	sadd.s32 $0xFFFFFFF0, s29  }
0x68: {  	v8 =	vor.u32 s22, v1  }
0x69: {  	v23 =	vmul.f32 $1.442695020e+00, v16;
	[tilespmem:v22+s19+$0x0] =	vst.idx.msk $0xffff, v8  }
0x6a: {  	v22 =	vld [tilespmem:s24+$0x0]  }
0x6b: {  	(erf) = vpow2.f32 v23;
	_ =	sdelay $0x5  }
0x6c: {  	v59 =	vmov s6;
	vm0 =	veq.s32 v7, v10;
	v7 =	vor.u32 s29, v1  }
0x6d: {  	v26 =	vshll.u32 v59, $0xA;
	v21 =	vshll.u32 v59, $0x7;
	[tilespmem:v22+s19+$0x0] =	vst.idx.msk $0xffff, v7  }
0x6e: {  	v26 =	vand.u32 $0x6000, v26;
	v21 =	vand.u32 $0x380, v21;
	v22 =	vld [tilespmem:s24+$0xFFFFFFDE]  }
0x6f: {  	v10 =	vsel vm0, $0x3F800000, v2;
	v24 =	vmul.f32 $1.442695020e+00, v14;
	v54 =	vsub.f32 $0.0e+00, v16;
	v23 =	vpop (erf)  }
0x70: {  	v55 =	vsub.f32 $0.0e+00, v14;
	v52 =	vmul.f32 $1.442695020e+00, v17;
	v51 =	vmul.f32 v23, v10;
	v23 =	vld [tilespmem:s24+$0xFFFFFFEE]  }
0x71: {  	vm1 =	veq.s32 v49, v11;
	v53 =	vmul.f32 $1.442695020e+00, v9;
	v57 =	vmul.f32 $1.442695020e+00, v54  }
0x72: {  	v58 =	vmul.f32 $1.442695020e+00, v55;
	v25 =	vsub.f32 $0.0e+00, v17;
	(erf) = vpow2.f32 v24  }
0x73: {  	v33 =	vsub.f32 $0.0e+00, v9;
	(erf) = vpow2.f32 v52;
	v27 =	vshll.u32 v22, $0x3  }
0x74: {  	v61 =	vmul.f32 $1.442695020e+00, v25;
	(erf) = vpow2.f32 v53;
	v29 =	vld [tilespmem:s24+$0xFFFFFFFE];
	v27 =	vand.u32 $0xFFFFFC00, v27  }
0x75: {  	v28 =	vand.u32 $0x7F, v22;
	v30 =	vshll.u32 v23, $0x3;
	v27 =	vadd.s32 v26, v27  }
0x76: {  	(erf) = vpow2.f32 v57;
	v60 =	vand.u32 $0xFFFFFC00, v30;
	v30 =	vld [tilespmem:s24+$0x0];
	v27 =	vor.u32 v28, v27  }
0x77: {  	vm2 =	veq.s32 v15, v12;
	(erf) = vpow2.f32 v58;
	v27 =	vor.u32 v21, v27  }
0x78: {  	v56 =	vsel vm1, $0x3F800000, v2;
	v12 =	vmul.f32 $1.442695020e+00, v33;
	(erf) = vpow2.f32 v61  }
0x79: {  	v31 =	vand.u32 $0x7F, v23;
	v32 =	vshll.u32 v29, $0x3;
	v28 =	vadd.s32 v26, v60  }
0x7a: {  	v34 =	vand.u32 $0x7F, v29;
	v25 =	vand.u32 $0xFFFFFC00, v32;
	v62 =	vor.u32 v31, v28  }
0x7b: {  	v25 =	vadd.s32 v26, v25;
	v63 =	vor.u32 v21, v62;
	v35 =	vshll.u32 v30, $0x3  }
0x7c: {  	(erf) = vpow2.f32 v12;
	v25 =	vor.u32 v34, v25;
	v36 =	vand.u32 $0xFFFFFC00, v35;
	v27 =	vld.idx.msk [tilespmem:v27+s2+$0x0], $0xffff  }
0x7d: {  	v37 =	vpop (erf);
	v25 =	vor.u32 v21, v25;
	v32 =	vand.u32 $0x7F, v30;
	v26 =	vadd.s32 v26, v36  }
0x7e: {  	v38 =	vmul.f32 v37, v56;
	v11 =	vadd.f32 $0.0e+00, v51;
	v40 =	vor.u32 v32, v26  }
0x7f: {  	v41 =	vsel vm2, $0x3F800000, v2;
	v42 =	vpop (erf);
	v15 =	vor.u32 v21, v40  }
0x80: {  	vm3 =	veq.s32 v50, v13;
	v11 =	vadd.f32 v38, v11;
	v43 =	vmul.f32 v42, v41;
	v39 =	vld.idx.msk [tilespmem:v63+s2+$0x0], $0xffff  }
0x81: {  	v45 =	vsel vm3, $0x3F800000, v2;
	v14 =	vmul.f32 v56, v14;
	v44 =	vpop (erf);
	v47 =	vsub.f32 $0.0e+00, v27  }
0x82: {  	v17 =	vmul.f32 v41, v17;
	v46 =	vpop (erf);
	v48 =	vmul.f32 v44, v45;
	v11 =	vadd.f32 v43, v11;
	v25 =	vld.idx.msk [tilespmem:v25+s2+$0x0], $0xffff  }
0x83: {  	v49 =	vmul.f32 v46, v10;
	v50 =	vpop (erf);
	v31 =	vmul.f32 $1.442695020e+00, v47  }
0x84: {  	v9 =	vmul.f32 v45, v9;
	v10 =	vmul.f32 v10, v16;
	v54 =	vpop (erf);
	v11 =	vadd.f32 v48, v11;
	v15 =	vld.idx.msk [tilespmem:v15+s2+$0x0], $0xffff  }
0x85: {  	v18 =	vadd.f32 $0.0e+00, v49;
	v55 =	vpop (erf);
	v51 =	vsub.f32 $0.0e+00, v39;
	(erf) = vpow2.f32 v31  }
0x86: {  	v10 =	vadd.f32 $0.0e+00, v10;
	v16 =	vmul.f32 v55, v45;
	v22 =	vld.idx.msk [tilespmem:v22+s19+$0x0], $0xffff;
	v52 =	vmul.f32 $1.442695020e+00, v27  }
0x87: {  	v28 =	vmul.f32 v50, v56;
	v57 =	vsub.f32 $0.0e+00, v25;
	v53 =	vmul.f32 $1.442695020e+00, v51  }
0x88: {  	v10 =	vadd.f32 v14, v10;
	v56 =	vmul.f32 $1.442695020e+00, v39;
	(erf) = vpow2.f32 v52  }
0x89: {  	v23 =	vld.idx.msk [tilespmem:v23+s19+$0x0], $0xffff;
	v58 =	vmul.f32 $1.442695020e+00, v57;
	(erf) = vpow2.f32 v53;
	v59 =	vsub.f32 $0.0e+00, v15  }
0x8a: {  	v10 =	vadd.f32 v17, v10;
	v61 =	vld.idx.msk [tilespmem:v29+s19+$0x0], $0xffff;
	v60 =	vmul.f32 $1.442695020e+00, v25;
	(erf) = vpow2.f32 v56  }
0x8b: {  	vm4 =	veq.s32 v22, v19;
	(erf) = vpow2.f32 v58;
	v22 =	vmul.f32 $1.442695020e+00, v59  }
0x8c: {  	v18 =	vadd.f32 v28, v18;
	v62 =	vmul.f32 $1.442695020e+00, v15;
	(erf) = vpow2.f32 v60  }
0x8d: {  	v19 =	vmul.f32 v54, v41;
	v63 =	vsel vm4, $0x3F800000, v2;
	(erf) = vpow2.f32 v22  }
0x8e: {  	vm5 =	veq.s32 v23, v20;
	v26 =	vmul.f32 v63, v27;
	v27 =	vld.idx.msk [tilespmem:v30+s19+$0x0], $0xffff;
	v23 =	vpop (erf);
	(erf) = vpow2.f32 v62  }
0x8f: {  	vm6 =	veq.s32 v61, v8;
	v8 =	vsel vm5, $0x3F800000, v2;
	v18 =	vadd.f32 v19, v18  }
0x90: {  	v9 =	vadd.f32 v9, v10;
	v12 =	vmul.f32 v8, v39;
	v29 =	vadd.f32 $0.0e+00, v26  }
0x91: {  	v32 =	vsel vm6, $0x3F800000, v2;
	v16 =	vadd.f32 v16, v18;
	v24 =	vpop (erf);
	v19 =	vmul.f32 v23, v63  }
0x92: {  	v35 =	vmul.f32 v32, v25;
	v10 =	vadd.f32 v12, v29;
	v14 =	vmul.f32 v24, v63;
	v28 =	vpop (erf)  }
0x93: {  	vm7 =	veq.s32 v27, v7;
	v30 =	vpop (erf);
	v31 =	vadd.f32 $0.0e+00, v19;
	v13 =	vmul.f32 v28, v8  }
0x94: {  	v37 =	vsel vm7, $0x3F800000, v2;
	v14 =	vadd.f32 $0.0e+00, v14;
	v8 =	vmul.f32 v30, v8;
	v33 =	vpop (erf)  }
0x95: {  	v39 =	vadd.f32 v35, v10;
	v34 =	vadd.f32 v13, v31;
	v7 =	vpop (erf);
	v36 =	vmul.f32 v33, v32  }
0x96: {  	v40 =	vmul.f32 v37, v15;
	v8 =	vadd.f32 v8, v14;
	v38 =	vpop (erf);
	v7 =	vmul.f32 v7, v32  }
0x97: {  	(xrf2) =	vadd.scan.msk.f32 $0xffff, v11;
	v11 =	vadd.f32 v36, v34;
	v41 =	vmul.f32 v38, v37;
	v42 =	vpop (erf)  }
0x98: {  	(xrf2) =	vadd.scan.msk.f32 $0xffff, v16;
	v7 =	vadd.f32 v7, v8;
	v8 =	vadd.f32 v40, v39;
	v43 =	vmul.f32 v42, v37  }
0x99: {  	(xrf2) =	vadd.scan.msk.f32 $0xffff, v9;
	v44 =	vadd.f32 v41, v11  }
0x9a: {  	(xrf2) =	vadd.scan.msk.f32 $0xffff, v8;
	v7 =	vadd.f32 v43, v7  }
0x9b: {  	(xrf2) =	vadd.scan.msk.f32 $0xffff, v44  }
0x9c: {  	(xrf2) =	vadd.scan.msk.f32 $0xffff, v7;
	_ =	sdelay $0x1  }
0x9d: {  	s22 =	sand.u32 $0xE, s15;
	v45 =	vmpcnt.ones.xlane vm1  }
0x9e: {  	v48 =	vmov s22;
	v54 =	vmpcnt.ones.xlane vm5;
	v8 =	vmpcnt.ones.xlane vm0  }
0x9f: {  	vm14 =	veq.s32 v48, v1;
	v47 =	vmpcnt.ones.xlane vm2;
	v53 =	vmpcnt.ones.xlane vm4  }
0xa0: {  	v50 =	vmpcnt.ones.xlane vm3;
	v57 =	vmpcnt.ones.xlane vm6;
	v8 =	vadd.s32 v8, v45;
	v7, _, _ =	vpop (xrf2)  }
0xa1: {  	s22 =	sand.u32 $0xF, s6;
	v56 =	vadd.s32 v53, v54;
	v59 =	vmpcnt.ones.xlane vm7;
	v8 =	vadd.s32 v47, v8;
	v46, _, _ =	vpop (xrf2)  }
0xa2: {  	v60 =	vmov s22;
	v10 =	vadd.s32 v57, v56;
	v8 =	vadd.s32 v50, v8;
	v49, _, _ =	vpop (xrf2)  }
0xa3: {  	vm15 =	veq.s32 v60, v1;
	v8 =	vcvt.s32.f32 v8;
	v52 =	vbroadcast v49, $0xF;
	v55, _, _ =	vpop (xrf2)  }
0xa4: {  	v10 =	vadd.s32 v59, v10;
	v51 =	vbroadcast v46, $0xF;
	v58, _, _ =	vpop (xrf2);
	v9 =	vbroadcast v55, $0xF  }
0xa5: {  	v7 =	vbroadcast v7, $0xF;
	v5 =	vsel vm14, v52, v5;
	v61 =	vbroadcast v58, $0xF;
	v62, _, _ =	vpop (xrf2)  }
0xa6: {  	p0 =	sne.s32 s22, $0xF;
	v6 =	vsel vm14, v51, v6;
	v5 =	vsel vm15, v9, v5;
	v63 =	vbroadcast v62, $0xF  }
0xa7: {  	v4 =	vsel vm14, v7, v4;
	v7 =	vcvt.s32.f32 v10;
	v6 =	vsel vm15, v61, v6;
	[tilespmem:s25+$0x0] =	vst @!p0 v5  }
0xa8: {  	v3 =	vsel vm14, v8, v3;
	[tilespmem:s16+$0x0] =	vst @!p0 v6;
	v4 =	vsel vm15, v63, v4  }
0xa9: {  	v3 =	vsel vm15, v7, v3;
	[tilespmem:s21+$0x0] =	vst @!p0 v4  }
0xaa: {  	[tilespmem:s23+$0x0] =	vst @!p0 v3;
	p0 =	slt.u32 s15, $0x1E  }
.Ltmp3:
0xab: {  	_ = 	snop;
	(pc) =	sbr.rel @p0 .LBB2_5-.Ltmp3, $4  }
0xac: {  	_ = 	snop  }
0xad: {  	s29 =	sadd.s32 $0x80, s29  }
0xae: {  	s6 =	sadd.s32 $0x2, s6;
	s24 =	sadd.s32 $0x100, s24;
	s25 =	sadd.s32 $0x2, s25  }
0xaf: {  	s16 =	sadd.s32 $0x2, s16;
	s21 =	sadd.s32 $0x2, s21;
	s23 =	sadd.s32 $0x2, s23  }
0xb0: {  	p0 =	seq.s32 s28, $0x7  }
0xb1: {  	s6 =	sadd.s32 @!p0 s5, s9  }
0xb2: {  	s15 =	sshll.u32 @!p0 s6, $0x7  }
0xb3: {  	s16 =	simm.s32 @!p0 $0x0;
	s6 =	sshll.u32 @!p0 s6, $0x4;
	s15 =	sadd.s32 @!p0 s3, s15  }
0xb4: {  	[tilespmem:s16], [sflag:$0x1] =	stream.linear.gather @!p0 [hbm4b:s15+s16], $0x8000, $0x38;
	[tilespmem:$0x12C00] =	vst v63  }
0xb5: {  	s6 =	sadd.s32 @!p0 s4, s6;
	s15 =	simm.s32 @!p0 $0x10000  }
0xb6: {  	[tilespmem:s15], [sflag:$0x1] =	stream.linear.gather @!p0 [hbm4b:s6+s16], $0x1000, $0x38;
	[tilespmem:$0x12C00] =	vst v63  }
0xb7: {  	_ =	swait.ge [sflag:s20], $0x8000  }
0xb8: {  	[sflag:s20] =	ssyncset.done $0x0  }
0xb9: {  	s25 =	smov.u32 s7;
	[sflag:s20] =	ssyncadd.s32 $0xFFFF8000  }
0xba: {  	s24 =	smov.u32 s8;
	s23 =	smov.u32 s10;
	_ =	swait.ge [sflag:s20], $0x1000  }
0xbb: {  	s21 =	smov.u32 s11;
	s15 =	simm.s32 $0xFFFFFFFE;
	[sflag:s20] =	ssyncset.done $0x0  }
0xbc: {  	s6 =	simm.s32 $0x110A2;
	s16 =	smov.u32 s13;
	[sflag:s20] =	ssyncadd.s32 $0xFFFFF000  }
.LBB2_7:
0xbd: {  	v7 =	vld [tilespmem:s6+$0xFFFFFF5E];
	_ =	sdelay $0x5  }
0xbe: {  	s22 =	sadd.s32 $0xFFFFFF90, s16  }
0xbf: {  	v10 =	vor.u32 s22, v1  }
0xc0: {  	[tilespmem:v7+s19+$0x0] =	vst.idx.msk $0xffff, v10  }
0xc1: {  	v7 =	vld [tilespmem:s6+$0xFFFFFF6E];
	_ =	sdelay $0x5  }
0xc2: {  	s29 =	sadd.s32 $0xFFFFFFA0, s16  }
0xc3: {  	v11 =	vor.u32 s29, v1  }
0xc4: {  	[tilespmem:v7+s19+$0x0] =	vst.idx.msk $0xffff, v11  }
0xc5: {  	v7 =	vld [tilespmem:s6+$0xFFFFFF7E];
	_ =	sdelay $0x5  }
0xc6: {  	s29 =	sadd.s32 $0xFFFFFFB0, s16  }
0xc7: {  	v12 =	vor.u32 s29, v1  }
0xc8: {  	[tilespmem:v7+s19+$0x0] =	vst.idx.msk $0xffff, v12  }
0xc9: {  	v7 =	vld [tilespmem:s6+$0xFFFFFF80];
	_ =	sdelay $0x5  }
0xca: {  	s29 =	sadd.s32 $0xFFFFFFC0, s16  }
0xcb: {  	v13 =	vor.u32 s29, v1  }
0xcc: {  	[tilespmem:v7+s19+$0x0] =	vst.idx.msk $0xffff, v13  }
0xcd: {  	v7 =	vld [tilespmem:s6+$0xFFFFFF5E]  }
0xce: {  	v8 =	vld [tilespmem:s6+$0xFFFFFF6E]  }
0xcf: {  	s29 =	sadd.s32 $0x22, s15;
	v15 =	vld [tilespmem:s6+$0xFFFFFF7E]  }
0xd0: {  	v9 =	vmov s29;
	v19 =	vld [tilespmem:s6+$0xFFFFFF80]  }
0xd1: {  	v14 =	vshll.u32 v9, $0xA;
	v9 =	vshll.u32 v9, $0x7  }
0xd2: {  	v14 =	vand.u32 $0xE000, v14;
	v9 =	vand.u32 $0x300, v9  }
0xd3: {  	v16 =	vand.u32 $0x7F, v7;
	v17 =	vshll.u32 v7, $0x3;
	v18 =	vshll.u32 v8, $0x3  }
0xd4: {  	v44 =	vand.u32 $0x7F, v8;
	v45 =	vshll.u32 v15, $0x3;
	v20 =	vand.u32 $0x7F, v15  }
0xd5: {  	v21 =	vshll.u32 v19, $0x3;
	v17 =	vand.u32 $0xFFFFFC00, v17;
	v18 =	vand.u32 $0xFFFFFC00, v18  }
0xd6: {  	v47 =	vand.u32 $0x7F, v19;
	v17 =	vadd.s32 v14, v17;
	v18 =	vadd.s32 v14, v18  }
0xd7: {  	v16 =	vor.u32 v16, v17;
	v17 =	vor.u32 v44, v18;
	v18 =	vand.u32 $0xFFFFFC00, v45  }
0xd8: {  	v48 =	vld [tilespmem:s6+$0xFFFFFFDE];
	v46 =	vand.u32 $0xFFFFFC00, v21;
	v16 =	vor.u32 v9, v16;
	v18 =	vadd.s32 v14, v18  }
0xd9: {  	v7 =	vld.idx.msk [tilespmem:v7+s19+$0x0], $0xffff;
	v17 =	vor.u32 v9, v17;
	v14 =	vadd.s32 v14, v46;
	v18 =	vor.u32 v20, v18  }
0xda: {  	v49 =	vld.idx.msk [tilespmem:v8+s19+$0x0], $0xffff;
	v14 =	vor.u32 v47, v14;
	v18 =	vor.u32 v9, v18  }
0xdb: {  	v15 =	vld.idx.msk [tilespmem:v15+s19+$0x0], $0xffff;
	v8 =	vor.u32 v9, v14  }
0xdc: {  	v50 =	vld.idx.msk [tilespmem:v19+s19+$0x0], $0xffff  }
0xdd: {  	v16 =	vld.idx.msk [tilespmem:v16+s2+$0x0], $0xffff  }
0xde: {  	s29 =	sadd.s32 $0xFFFFFFD0, s16;
	v14 =	vld.idx.msk [tilespmem:v17+s2+$0x0], $0xffff  }
0xdf: {  	v19 =	vor.u32 s29, v1;
	v17 =	vld.idx.msk [tilespmem:v18+s2+$0x0], $0xffff  }
0xe0: {  	v9 =	vld.idx.msk [tilespmem:v8+s2+$0x0], $0xffff;
	[tilespmem:v48+s19+$0x0] =	vst.idx.msk $0xffff, v19  }
0xe1: {  	v8 =	vld [tilespmem:s6+$0xFFFFFFEE];
	_ =	sdelay $0x5  }
0xe2: {  	s29 =	sadd.s32 $0xFFFFFFE0, s16  }
0xe3: {  	v20 =	vor.u32 s29, v1  }
0xe4: {  	[tilespmem:v8+s19+$0x0] =	vst.idx.msk $0xffff, v20  }
0xe5: {  	v22 =	vld [tilespmem:s6+$0xFFFFFFFE];
	_ =	sdelay $0x5  }
0xe6: {  	s29 =	sadd.s32 $0xFFFFFFF0, s16  }
0xe7: {  	v8 =	vor.u32 s29, v1  }
0xe8: {  	v23 =	vmul.f32 $1.442695020e+00, v16;
	[tilespmem:v22+s19+$0x0] =	vst.idx.msk $0xffff, v8  }
0xe9: {  	v22 =	vld [tilespmem:s6+$0x0]  }
0xea: {  	(erf) = vpow2.f32 v23;
	_ =	sdelay $0x5  }
0xeb: {  	vm0 =	veq.s32 v7, v10;
	v7 =	vor.u32 s16, v1  }
0xec: {  	vm1 =	veq.s32 v49, v11;
	v54 =	vsub.f32 $0.0e+00, v16;
	[tilespmem:v22+s19+$0x0] =	vst.idx.msk $0xffff, v7  }
0xed: {  	v24 =	vmul.f32 $1.442695020e+00, v14;
	v55 =	vsub.f32 $0.0e+00, v14;
	v52 =	vmul.f32 $1.442695020e+00, v17;
	v22 =	vld [tilespmem:s6+$0xFFFFFFDE]  }
0xee: {  	v10 =	vsel vm0, $0x3F800000, v2;
	v53 =	vmul.f32 $1.442695020e+00, v9;
	v57 =	vmul.f32 $1.442695020e+00, v54;
	v23 =	vpop (erf)  }
0xef: {  	v58 =	vmul.f32 $1.442695020e+00, v55;
	v25 =	vsub.f32 $0.0e+00, v17;
	s29 =	sadd.s32 $0x23, s15;
	v51 =	vmul.f32 v23, v10;
	v23 =	vld [tilespmem:s6+$0xFFFFFFEE]  }
0xf0: {  	v33 =	vsub.f32 $0.0e+00, v9;
	(erf) = vpow2.f32 v24;
	v59 =	vmov s29  }
0xf1: {  	v61 =	vmul.f32 $1.442695020e+00, v25;
	v26 =	vshll.u32 v59, $0xA;
	v21 =	vshll.u32 v59, $0x7  }
0xf2: {  	v26 =	vand.u32 $0xE000, v26;
	(erf) = vpow2.f32 v52;
	v27 =	vshll.u32 v22, $0x3  }
0xf3: {  	v21 =	vand.u32 $0x380, v21;
	(erf) = vpow2.f32 v53;
	v29 =	vld [tilespmem:s6+$0xFFFFFFFE];
	v27 =	vand.u32 $0xFFFFFC00, v27  }
0xf4: {  	v28 =	vand.u32 $0x7F, v22;
	v30 =	vshll.u32 v23, $0x3;
	v27 =	vadd.s32 v26, v27  }
0xf5: {  	(erf) = vpow2.f32 v57;
	v60 =	vand.u32 $0xFFFFFC00, v30;
	v30 =	vld [tilespmem:s6+$0x0];
	v27 =	vor.u32 v28, v27  }
0xf6: {  	vm2 =	veq.s32 v15, v12;
	(erf) = vpow2.f32 v58;
	v27 =	vor.u32 v21, v27  }
0xf7: {  	v56 =	vsel vm1, $0x3F800000, v2;
	v12 =	vmul.f32 $1.442695020e+00, v33;
	(erf) = vpow2.f32 v61  }
0xf8: {  	v31 =	vand.u32 $0x7F, v23;
	v32 =	vshll.u32 v29, $0x3;
	v28 =	vadd.s32 v26, v60  }
0xf9: {  	v34 =	vand.u32 $0x7F, v29;
	v25 =	vand.u32 $0xFFFFFC00, v32;
	v62 =	vor.u32 v31, v28  }
0xfa: {  	v25 =	vadd.s32 v26, v25;
	v63 =	vor.u32 v21, v62;
	v35 =	vshll.u32 v30, $0x3  }
0xfb: {  	(erf) = vpow2.f32 v12;
	v25 =	vor.u32 v34, v25;
	v36 =	vand.u32 $0xFFFFFC00, v35;
	v27 =	vld.idx.msk [tilespmem:v27+s2+$0x0], $0xffff  }
0xfc: {  	v37 =	vpop (erf);
	v25 =	vor.u32 v21, v25;
	v32 =	vand.u32 $0x7F, v30;
	v26 =	vadd.s32 v26, v36  }
0xfd: {  	v38 =	vmul.f32 v37, v56;
	v11 =	vadd.f32 $0.0e+00, v51;
	v40 =	vor.u32 v32, v26  }
0xfe: {  	v41 =	vsel vm2, $0x3F800000, v2;
	v42 =	vpop (erf);
	v15 =	vor.u32 v21, v40  }
0xff: {  	vm3 =	veq.s32 v50, v13;
	v11 =	vadd.f32 v38, v11;
	v43 =	vmul.f32 v42, v41;
	v39 =	vld.idx.msk [tilespmem:v63+s2+$0x0], $0xffff  }
0x100: {  	v45 =	vsel vm3, $0x3F800000, v2;
	v14 =	vmul.f32 v56, v14;
	v44 =	vpop (erf);
	v47 =	vsub.f32 $0.0e+00, v27  }
0x101: {  	v17 =	vmul.f32 v41, v17;
	v46 =	vpop (erf);
	v48 =	vmul.f32 v44, v45;
	v11 =	vadd.f32 v43, v11;
	v25 =	vld.idx.msk [tilespmem:v25+s2+$0x0], $0xffff  }
0x102: {  	v49 =	vmul.f32 v46, v10;
	v50 =	vpop (erf);
	v31 =	vmul.f32 $1.442695020e+00, v47  }
0x103: {  	v9 =	vmul.f32 v45, v9;
	v10 =	vmul.f32 v10, v16;
	v54 =	vpop (erf);
	v11 =	vadd.f32 v48, v11;
	v15 =	vld.idx.msk [tilespmem:v15+s2+$0x0], $0xffff  }
0x104: {  	v18 =	vadd.f32 $0.0e+00, v49;
	v55 =	vpop (erf);
	v51 =	vsub.f32 $0.0e+00, v39;
	(erf) = vpow2.f32 v31  }
0x105: {  	v10 =	vadd.f32 $0.0e+00, v10;
	v16 =	vmul.f32 v55, v45;
	v22 =	vld.idx.msk [tilespmem:v22+s19+$0x0], $0xffff;
	v52 =	vmul.f32 $1.442695020e+00, v27  }
0x106: {  	v28 =	vmul.f32 v50, v56;
	v57 =	vsub.f32 $0.0e+00, v25;
	v53 =	vmul.f32 $1.442695020e+00, v51  }
0x107: {  	v10 =	vadd.f32 v14, v10;
	v56 =	vmul.f32 $1.442695020e+00, v39;
	(erf) = vpow2.f32 v52  }
0x108: {  	v23 =	vld.idx.msk [tilespmem:v23+s19+$0x0], $0xffff;
	v58 =	vmul.f32 $1.442695020e+00, v57;
	(erf) = vpow2.f32 v53;
	v59 =	vsub.f32 $0.0e+00, v15  }
0x109: {  	v10 =	vadd.f32 v17, v10;
	v61 =	vld.idx.msk [tilespmem:v29+s19+$0x0], $0xffff;
	v60 =	vmul.f32 $1.442695020e+00, v25;
	(erf) = vpow2.f32 v56  }
0x10a: {  	vm4 =	veq.s32 v22, v19;
	(erf) = vpow2.f32 v58;
	v22 =	vmul.f32 $1.442695020e+00, v59  }
0x10b: {  	v18 =	vadd.f32 v28, v18;
	v62 =	vmul.f32 $1.442695020e+00, v15;
	(erf) = vpow2.f32 v60  }
0x10c: {  	v19 =	vmul.f32 v54, v41;
	v63 =	vsel vm4, $0x3F800000, v2;
	(erf) = vpow2.f32 v22  }
0x10d: {  	vm5 =	veq.s32 v23, v20;
	v26 =	vmul.f32 v63, v27;
	v27 =	vld.idx.msk [tilespmem:v30+s19+$0x0], $0xffff;
	v23 =	vpop (erf);
	(erf) = vpow2.f32 v62  }
0x10e: {  	vm6 =	veq.s32 v61, v8;
	v8 =	vsel vm5, $0x3F800000, v2;
	v18 =	vadd.f32 v19, v18  }
0x10f: {  	v9 =	vadd.f32 v9, v10;
	v12 =	vmul.f32 v8, v39;
	v29 =	vadd.f32 $0.0e+00, v26  }
0x110: {  	v32 =	vsel vm6, $0x3F800000, v2;
	v16 =	vadd.f32 v16, v18;
	v24 =	vpop (erf);
	v19 =	vmul.f32 v23, v63  }
0x111: {  	v35 =	vmul.f32 v32, v25;
	v10 =	vadd.f32 v12, v29;
	v14 =	vmul.f32 v24, v63;
	v28 =	vpop (erf)  }
0x112: {  	vm7 =	veq.s32 v27, v7;
	v30 =	vpop (erf);
	v31 =	vadd.f32 $0.0e+00, v19;
	v13 =	vmul.f32 v28, v8  }
0x113: {  	v37 =	vsel vm7, $0x3F800000, v2;
	v14 =	vadd.f32 $0.0e+00, v14;
	v8 =	vmul.f32 v30, v8;
	v33 =	vpop (erf)  }
0x114: {  	v39 =	vadd.f32 v35, v10;
	v34 =	vadd.f32 v13, v31;
	v7 =	vpop (erf);
	v36 =	vmul.f32 v33, v32  }
0x115: {  	v40 =	vmul.f32 v37, v15;
	v8 =	vadd.f32 v8, v14;
	v38 =	vpop (erf);
	v7 =	vmul.f32 v7, v32  }
0x116: {  	(xrf2) =	vadd.scan.msk.f32 $0xffff, v11;
	v11 =	vadd.f32 v36, v34;
	v41 =	vmul.f32 v38, v37;
	v42 =	vpop (erf)  }
0x117: {  	(xrf2) =	vadd.scan.msk.f32 $0xffff, v16;
	v7 =	vadd.f32 v7, v8;
	v8 =	vadd.f32 v40, v39;
	v43 =	vmul.f32 v42, v37  }
0x118: {  	(xrf2) =	vadd.scan.msk.f32 $0xffff, v9;
	v44 =	vadd.f32 v41, v11  }
0x119: {  	(xrf2) =	vadd.scan.msk.f32 $0xffff, v8;
	v7 =	vadd.f32 v43, v7  }
0x11a: {  	(xrf2) =	vadd.scan.msk.f32 $0xffff, v44  }
0x11b: {  	(xrf2) =	vadd.scan.msk.f32 $0xffff, v7  }
0x11c: {  	s22 =	sadd.s32 $0x2, s15  }
0x11d: {  	s29 =	sand.u32 $0xE, s22;
	v45 =	vmpcnt.ones.xlane vm1  }
0x11e: {  	v48 =	vmov s29;
	v54 =	vmpcnt.ones.xlane vm5;
	v8 =	vmpcnt.ones.xlane vm0  }
0x11f: {  	vm14 =	veq.s32 v48, v1;
	v47 =	vmpcnt.ones.xlane vm2;
	v53 =	vmpcnt.ones.xlane vm4  }
0x120: {  	s29 =	sadd.s32 $0x3, s15;
	v50 =	vmpcnt.ones.xlane vm3;
	v57 =	vmpcnt.ones.xlane vm6;
	v8 =	vadd.s32 v8, v45;
	v7, _, _ =	vpop (xrf2)  }
0x121: {  	s15 =	sand.u32 $0xF, s29;
	v56 =	vadd.s32 v53, v54;
	v59 =	vmpcnt.ones.xlane vm7;
	v8 =	vadd.s32 v47, v8;
	v46, _, _ =	vpop (xrf2)  }
0x122: {  	v60 =	vmov s15;
	v10 =	vadd.s32 v57, v56;
	v8 =	vadd.s32 v50, v8;
	v49, _, _ =	vpop (xrf2)  }
0x123: {  	vm15 =	veq.s32 v60, v1;
	v8 =	vcvt.s32.f32 v8;
	v52 =	vbroadcast v49, $0xF;
	v55, _, _ =	vpop (xrf2)  }
0x124: {  	v10 =	vadd.s32 v59, v10;
	v51 =	vbroadcast v46, $0xF;
	v58, _, _ =	vpop (xrf2);
	v9 =	vbroadcast v55, $0xF  }
0x125: {  	v7 =	vbroadcast v7, $0xF;
	v5 =	vsel vm14, v52, v5;
	v61 =	vbroadcast v58, $0xF;
	v62, _, _ =	vpop (xrf2)  }
0x126: {  	p1 =	sne.s32 s15, $0xF;
	v6 =	vsel vm14, v51, v6;
	v5 =	vsel vm15, v9, v5;
	v63 =	vbroadcast v62, $0xF  }
0x127: {  	v4 =	vsel vm14, v7, v4;
	v7 =	vcvt.s32.f32 v10;
	v6 =	vsel vm15, v61, v6;
	[tilespmem:s21+$0x0] =	vst @!p1 v5  }
0x128: {  	v3 =	vsel vm14, v8, v3;
	[tilespmem:s23+$0x0] =	vst @!p1 v6;
	v4 =	vsel vm15, v63, v4  }
0x129: {  	v3 =	vsel vm15, v7, v3;
	[tilespmem:s24+$0x0] =	vst @!p1 v4  }
0x12a: {  	[tilespmem:s25+$0x0] =	vst @!p1 v3;
	p1 =	slt.u32 s22, $0x1E  }
.Ltmp4:
0x12b: {  	_ = 	snop;
	(pc) =	sbr.rel @p1 .LBB2_7-.Ltmp4, $4  }
0x12c: {  	_ = 	snop  }
0x12d: {  	s16 =	sadd.s32 $0x80, s16  }
0x12e: {  	s6 =	sadd.s32 $0x100, s6;
	s15 =	smov.u32 s22;
	s21 =	sadd.s32 $0x2, s21  }
0x12f: {  	s23 =	sadd.s32 $0x2, s23;
	s24 =	sadd.s32 $0x2, s24;
	s25 =	sadd.s32 $0x2, s25  }
.Ltmp5:
0x130: {  	(pc) =	sbr.rel @p0 .LBB2_10-.Ltmp5, $1  }
0x131: {  	_ =	sdelay $0x3  }
0x132: {  	s5 =	sadd.s32 s5, s12;
	s28 =	sadd.s32 $0x1, s28  }
0x133: {  	s14 =	sadd.s32 $0x1000, s14;
	s30 =	sadd.s32 $0x40, s30;
	s31 =	sadd.s32 $0x40, s31  }
0x134: {  	s0 =	sadd.s32 $0x40, s0;
	s1 =	sadd.s32 $0x40, s1;
	s13 =	sadd.s32 $0x1000, s13  }
.Ltmp6:
0x135: {  	s11 =	sadd.s32 $0x40, s11;
	s6 =	sshll.u32 s5, $0x7;
	(pc) =	sbr.rel .LBB2_4-.Ltmp6, $4  }
0x136: {  	s10 =	sadd.s32 $0x40, s10;
	s5 =	sshll.u32 s5, $0x4;
	s6 =	sadd.s32 s3, s6  }
0x137: {  	[tilespmem:s17], [sflag:$0x2] =	stream.linear.gather [hbm4b:s6+s2], $0x8000, $0x38;
	[tilespmem:$0x12C00] =	vst v63  }
0x138: {  	s8 =	sadd.s32 $0x40, s8;
	s7 =	sadd.s32 $0x40, s7;
	s5 =	sadd.s32 s4, s5  }
0x139: {  	[tilespmem:s18], [sflag:$0x2] =	stream.linear.gather [hbm4b:s5+s2], $0x1000, $0x38;
	[tilespmem:$0x12C00] =	vst v63  }
.LBB2_11:
0x13a: {  	_ =	sfence.sel $0x180000  }
0x13b: {  	[bflag:$0x0] =	sbarrier.arrive $0xFFFF  }
0x13c: {  	_ =	strace $0x90000047  }
0x13d: {  	s0 =	stileid.u32;
	[bflag:$0x2] =	sbarrier.arrive $0xFFFF  }
0x13e: {  	p0 =	sne.s32 s0, $0x0;
	s0 =	rddreg [dreg:$0x1]  }
0x13f: {  	s0 =	sadd.s32 @!p0 $0x100000, s0  }
0x140: {  	[sflag:s0] =	ssyncadd.tile.s32 @!p0 $0x1;
	_ =	shalt  }
.Lfunc_end2:
_tile_overlayer_lowered:
.L_overlay_start_2:
0x141: {  	(tag) =	ssettag $0x2  }
0x142: {  	s0 =	rddreg [dreg:$0x0];
	s2 =	stileid.u32  }
0x143: {  	s1 =	rddreg [dreg:$0x1];
	p0 =	sne.s32 s2, $0x0  }
0x144: {  	s3 =	rddreg [dreg:$0x2];
	[bflag:$0x3] =	sbarrier.arrive $0xFFFF;
	s2 =	simm.s32 @!p0 $0x1C03  }
0x145: {  	[timem:s3], [sflag:s2] =	dma.local @!p0 [hbm:s0], s1  }
0x146: {  	s0 =	simm.s32 @!p0 $0x3  }
0x147: {  	_ =	swait.ge @!p0 [sflag:s0], s1  }
0x148: {  	s1 =	ssub.s32 @!p0 $0x0, s1;
	[sflag:s0] =	ssyncset.done @!p0 $0x0  }
0x149: {  	[sflag:s0] =	ssyncadd.s32 @!p0 s1  }
0x14a: {  	[bflag:$0x3] =	sbarrier.arrive $0xFFFF  }
0x14b: {  	_ =	shalt  }

</sc_bundles>
